<compile_context>
chip_gen: v7x
topology: tpu7x:2x2x1
jax: 0.10.2.dev20260603
libtpu: 0.0.44.dev20260713+nightly
codegen_flags: <defaults>
</compile_context>

<pallas_src>
import functools

import jax
import jax.numpy as jnp
from jax import lax
from jax.experimental import pallas as pl
from jax.experimental.pallas import tpu as pltpu
from jax.experimental.pallas import tpu_sc as plsc

N_NODES = 100000
NUM_GRAPHS = 64
NW = 32
CHUNK = 3136
HALF = CHUNK // 2
LAST = NW - 1
TAIL = N_NODES - LAST * CHUNK
N_ELEM = 119
L = 16
VECS = CHUNK // L
HALF_VECS = HALF // L
TAIL_VECS = TAIL // L


def _sc_body(ne_hbm, pk_hbm, tab_hbm,
             oe_hbm, par_hbm,
             ne_v, pk_v, oe_v, tab_v, acc_v, par_v,
             sem, sem2):
    wid = lax.axis_index("s") * 2 + lax.axis_index("c")
    base = wid * CHUNK
    is_last = wid == LAST

    tab_cp = pltpu.async_copy(tab_hbm, tab_v, sem)

    h0 = pl.ds(base, HALF)
    t0 = pl.ds(0, HALF)
    cne0 = pltpu.async_copy(ne_hbm.at[h0], ne_v.at[t0], sem)
    cpk0 = pltpu.async_copy(pk_hbm.at[h0], pk_v.at[t0], sem)

    @pl.when(jnp.logical_not(is_last))
    def _():
        h1 = pl.ds(base + HALF, CHUNK - HALF)
        t1 = pl.ds(HALF, CHUNK - HALF)
        pltpu.async_copy(ne_hbm.at[h1], ne_v.at[t1], sem2)
        pltpu.async_copy(pk_hbm.at[h1], pk_v.at[t1], sem2)

    @pl.when(is_last)
    def _():
        h1 = pl.ds(base + HALF, TAIL - HALF)
        t1 = pl.ds(HALF, TAIL - HALF)
        pltpu.async_copy(ne_hbm.at[h1], ne_v.at[t1], sem2)
        pltpu.async_copy(pk_hbm.at[h1], pk_v.at[t1], sem2)

    zeros16 = jnp.zeros((L,), jnp.float32)

    @plsc.parallel_loop(0, (L * NUM_GRAPHS) // L, unroll=4)
    def _(i):
        acc_v[pl.ds(i * L, L)] = zeros16

    tab_cp.wait()
    cne0.wait()
    cpk0.wait()

    lane_base = lax.iota(jnp.int32, L) * NUM_GRAPHS

    def step(i):
        sl = pl.ds(i * L, L)
        pk = pk_v[sl]
        idx = pk & 0x7F
        b = (pk >> 8) & 0x3F
        lgi = (pk >> 16) & 1
        tv = plsc.load_gather(tab_v, [idx])
        lgv = lgi.astype(jnp.float32)
        e = ne_v[sl] + tv * lgv
        oe_v[sl] = e
        plsc.addupdate_scatter(acc_v, [lane_base + b], e * lgv)

    @plsc.parallel_loop(0, HALF_VECS, unroll=8)
    def _(i):
        step(i)

    @pl.when(jnp.logical_not(is_last))
    def _():
        for _i in range(2):
            pltpu.make_async_copy(
                ne_hbm.at[pl.ds(0, CHUNK - HALF)],
                ne_v.at[pl.ds(0, CHUNK - HALF)], sem2).wait()

    @pl.when(is_last)
    def _():
        for _i in range(2):
            pltpu.make_async_copy(
                ne_hbm.at[pl.ds(0, TAIL - HALF)],
                ne_v.at[pl.ds(0, TAIL - HALF)], sem2).wait()

    nvec = jnp.where(is_last, TAIL_VECS, VECS)

    @plsc.parallel_loop(HALF_VECS, nvec, unroll=8)
    def _(i):
        step(i)

    @plsc.parallel_loop(0, NUM_GRAPHS // L, unroll=2)
    def _(j):
        s = jnp.zeros((L,), jnp.float32)
        for l in range(L):
            s = s + acc_v[pl.ds(l * NUM_GRAPHS + j * L, L)]
        par_v[pl.ds(j * L, L)] = s

    pltpu.sync_copy(par_v, par_hbm.at[wid])

    @pl.when(jnp.logical_not(is_last))
    def _():
        pltpu.sync_copy(oe_v, oe_hbm.at[pl.ds(base, CHUNK)])

    @pl.when(is_last)
    def _():
        pltpu.sync_copy(
            oe_v.at[pl.ds(0, TAIL)], oe_hbm.at[pl.ds(base, TAIL)])


@jax.jit
def _sc_call(ne, pk, tab):
    mesh = plsc.VectorSubcoreMesh(core_axis_name="c", subcore_axis_name="s")
    k = functools.partial(
        pl.kernel,
        mesh=mesh,
        compiler_params=pltpu.CompilerParams(needs_layout_passes=False),
        out_type=(
            jax.ShapeDtypeStruct((N_NODES,), jnp.float32),
            jax.ShapeDtypeStruct((NW, NUM_GRAPHS), jnp.float32),
        ),
        scratch_types=[
            pltpu.VMEM((CHUNK,), jnp.float32),
            pltpu.VMEM((CHUNK,), jnp.int32),
            pltpu.VMEM((CHUNK,), jnp.float32),
            pltpu.VMEM((N_ELEM,), jnp.float32),
            pltpu.VMEM((L * NUM_GRAPHS,), jnp.float32),
            pltpu.VMEM((NUM_GRAPHS,), jnp.float32),
            pltpu.SemaphoreType.DMA,
            pltpu.SemaphoreType.DMA,
        ],
    )(_sc_body)
    return k(ne, pk, tab)


def kernel(node_energy, forces, species, local_or_ghost, batch, ptr, enr_table):
    pk = (species.astype(jnp.int32)
          | (batch.astype(jnp.int32) << 8)
          | (local_or_ghost.astype(jnp.int32) << 16))

    oe, partials = _sc_call(node_energy, pk, enr_table)

    total_energy_local = partials.sum(axis=0)
    virials = jnp.zeros((1, 3, 3), dtype=node_energy.dtype)
    return (total_energy_local, oe, forces, virials)

# --- scband reference (transcript-rebuilt; emitter-appended) ---
"""Pipeline reference for scband-lammps-bam-67585605370667 (READ-ONLY COPY).

The authoritative reference and input builder live on the scoring server;
editing this copy changes nothing except your own understanding.
"""

import jax, jax.numpy as jnp
import numpy as np

N_NODES = 100000
NUM_GRAPHS = 64
N_ELEMENTS = 119
E_CORR = 0.0


def setup_inputs(seed: int = 0) -> dict:
    key = jax.random.key(seed)
    k1, k2, k3, k4, k5, k6, k7 = jax.random.split(key, 7)
    node_energy = jax.random.normal(k1, (N_NODES,), dtype=jnp.float32)
    forces = jax.random.normal(k2, (N_NODES, 3), dtype=jnp.float32)
    species = jax.random.randint(k3, (N_NODES,), 0, N_ELEMENTS)
    local_or_ghost = jax.random.randint(k4, (N_NODES,), 0, 2).astype(bool)
    batch = jnp.sort(jax.random.randint(k5, (N_NODES,), 0, NUM_GRAPHS))
    ptr = jnp.sort(jax.random.randint(k6, (NUM_GRAPHS + 1,), 0, N_NODES))
    # buffer: per-element average energy table (enr_avg_per_element densified)
    enr_table = jax.random.normal(k7, (N_ELEMENTS,), dtype=jnp.float32) * 100.0
    return {
        "node_energy": node_energy,
        "forces": forces,
        "species": species,
        "local_or_ghost": local_or_ghost,
        "batch": batch,
        "ptr": ptr,
        "enr_table": enr_table,
    }


def reference(node_energy, forces, species, local_or_ghost, batch, ptr, enr_table):
    # num_graphs = ptr.numel() - 1 (static here for jit-friendliness)
    num_graphs = ptr.shape[0] - 1
    lg = local_or_ghost
    # local_node_avg_energies = enr_avg_per_element[species[local_or_ghost]]
    # node_energy[local_or_ghost] += local_node_avg_energies  (masked add, jit-safe)
    node_avg = jnp.take(enr_table, species, axis=0)
    node_energy = node_energy + jnp.where(lg, node_avg, jnp.float32(0.0))
    energy = node_energy.sum()
    if E_CORR != 0.0:
        local_count = lg.sum().astype(jnp.float32)
        e_corr_per_local = jnp.float32(E_CORR) / local_count
        node_energy = node_energy + jnp.where(lg, e_corr_per_local, jnp.float32(0.0))
        energy = energy + e_corr_per_local * local_count
    # node_energy_local = node_energy * local_or_ghost
    node_energy_local = node_energy * lg.astype(node_energy.dtype)
    # total_energy_local = scatter_sum(node_energy_local, index=batch, dim_size=num_graphs)
    total_energy_local = jax.ops.segment_sum(node_energy_local, batch, num_segments=num_graphs)
    virials = jnp.zeros((1, 3, 3), dtype=node_energy.dtype)
    return (total_energy_local, node_energy, forces, virials)

if __name__ == "__main__":
    import jax
    _d = setup_inputs()
    print(jax.jit(kernel)(*tuple(_d.values())))

</pallas_src>

<mosaic_0001>
#map = affine_map<(d0, d1) -> (0)>
#map1 = affine_map<(d0, d1) -> (0, 0)>
module attributes {stable_mosaic.version = 14 : i64} {
  func.func @_sc_body(%arg0: i32, %arg1: i32, %arg2: memref<100000xf32, #tpu.memory_space<hbm>>, %arg3: memref<100000xi32, #tpu.memory_space<hbm>>, %arg4: memref<119xf32, #tpu.memory_space<hbm>>, %arg5: memref<100000xf32, #tpu.memory_space<hbm>>, %arg6: memref<32x64xf32, #tpu.memory_space<hbm>>, %arg7: memref<3136xf32, #tpu.memory_space<vmem>>, %arg8: memref<3136xi32, #tpu.memory_space<vmem>>, %arg9: memref<3136xf32, #tpu.memory_space<vmem>>, %arg10: memref<119xf32, #tpu.memory_space<vmem>>, %arg11: memref<1024xf32, #tpu.memory_space<vmem>>, %arg12: memref<64xf32, #tpu.memory_space<vmem>>, %arg13: memref<!tpu.dma_semaphore, #tpu.memory_space<semaphore_mem>>, %arg14: memref<!tpu.dma_semaphore, #tpu.memory_space<semaphore_mem>>) attributes {dimension_semantics = [#tpu.dimension_semantics<core_parallel>, #tpu.dimension_semantics<subcore_parallel>], iteration_bounds = array<i64: 2, 16>, scalar_prefetch = 0 : i64, scratch_operands = 8 : i64, tpu.core_type = #tpu.core_type<sc_vector_subcore>, window_params = [{transform_indices = #map}, {transform_indices = #map}, {transform_indices = #map}, {transform_indices = #map}, {transform_indices = #map1}]} {
    %mul3A = arith.constant 2 : i32
    %mul3A_0 = arith.muli %arg1, %mul3A : i32
    %add3A = arith.addi %mul3A_0, %arg0 : i32
    %mul3A_1 = arith.constant 3136 : i32
    %mul3A_2 = arith.muli %add3A, %mul3A_1 : i32
    %eq3A = arith.constant 31 : i32
    %eq3A_3 = arith.cmpi eq, %add3A, %eq3A : i32
    tpu.enqueue_dma source(%arg4 : memref<119xf32, #tpu.memory_space<hbm>>) target(%arg10 : memref<119xf32, #tpu.memory_space<vmem>>) target_semaphore(%arg13 : memref<!tpu.dma_semaphore, #tpu.memory_space<semaphore_mem>>)
    %dma_start3A = arith.constant 0 : i32
    %dma_start3A_4 = tpu.memref_slice %arg7[%dma_start3A] : memref<3136xf32, #tpu.memory_space<vmem>> -> memref<1568xf32, #tpu.memory_space<vmem>>
    %dma_start3A_5 = tpu.memref_slice %arg2[%mul3A_2] : memref<100000xf32, #tpu.memory_space<hbm>> -> memref<1568xf32, #tpu.memory_space<hbm>>
    %dma_start3A_6 = arith.constant 0 : i32
    %dma_start3A_7 = tpu.memref_slice %arg7[%dma_start3A_6] : memref<3136xf32, #tpu.memory_space<vmem>> -> memref<1568xf32, #tpu.memory_space<vmem>>
    %dma_start3A_8 = tpu.memref_slice %arg2[%mul3A_2] : memref<100000xf32, #tpu.memory_space<hbm>> -> memref<1568xf32, #tpu.memory_space<hbm>>
    tpu.enqueue_dma source(%dma_start3A_8 : memref<1568xf32, #tpu.memory_space<hbm>>) target(%dma_start3A_7 : memref<1568xf32, #tpu.memory_space<vmem>>) target_semaphore(%arg13 : memref<!tpu.dma_semaphore, #tpu.memory_space<semaphore_mem>>)
    %dma_start3A_9 = arith.constant 0 : i32
    %dma_start3A_10 = tpu.memref_slice %arg8[%dma_start3A_9] : memref<3136xi32, #tpu.memory_space<vmem>> -> memref<1568xi32, #tpu.memory_space<vmem>>
    %dma_start3A_11 = tpu.memref_slice %arg3[%mul3A_2] : memref<100000xi32, #tpu.memory_space<hbm>> -> memref<1568xi32, #tpu.memory_space<hbm>>
    %dma_start3A_12 = arith.constant 0 : i32
    %dma_start3A_13 = tpu.memref_slice %arg8[%dma_start3A_12] : memref<3136xi32, #tpu.memory_space<vmem>> -> memref<1568xi32, #tpu.memory_space<vmem>>
    %dma_start3A_14 = tpu.memref_slice %arg3[%mul3A_2] : memref<100000xi32, #tpu.memory_space<hbm>> -> memref<1568xi32, #tpu.memory_space<hbm>>
    tpu.enqueue_dma source(%dma_start3A_14 : memref<1568xi32, #tpu.memory_space<hbm>>) target(%dma_start3A_13 : memref<1568xi32, #tpu.memory_space<vmem>>) target_semaphore(%arg13 : memref<!tpu.dma_semaphore, #tpu.memory_space<semaphore_mem>>)
    %not3A = arith.constant true
    %not3A_15 = arith.xori %eq3A_3, %not3A : i1
    %convert_element_type3A = arith.extui %not3A_15 : i1 to i32
    %cond3A = arith.constant 0 : i32
    %cond3A_16 = arith.cmpi ne, %convert_element_type3A, %cond3A : i32
    scf.if %cond3A_16 {
      %add3A_62 = arith.constant 1568 : i32
      %add3A_63 = arith.addi %mul3A_2, %add3A_62 : i32
      %dma_start3A_64 = arith.constant 1568 : i32
      %dma_start3A_65 = tpu.memref_slice %arg7[%dma_start3A_64] : memref<3136xf32, #tpu.memory_space<vmem>> -> memref<1568xf32, #tpu.memory_space<vmem>>
      %dma_start3A_66 = tpu.memref_slice %arg2[%add3A_63] : memref<100000xf32, #tpu.memory_space<hbm>> -> memref<1568xf32, #tpu.memory_space<hbm>>
      %dma_start3A_67 = arith.constant 1568 : i32
      %dma_start3A_68 = tpu.memref_slice %arg7[%dma_start3A_67] : memref<3136xf32, #tpu.memory_space<vmem>> -> memref<1568xf32, #tpu.memory_space<vmem>>
      %dma_start3A_69 = tpu.memref_slice %arg2[%add3A_63] : memref<100000xf32, #tpu.memory_space<hbm>> -> memref<1568xf32, #tpu.memory_space<hbm>>
      tpu.enqueue_dma source(%dma_start3A_69 : memref<1568xf32, #tpu.memory_space<hbm>>) target(%dma_start3A_68 : memref<1568xf32, #tpu.memory_space<vmem>>) target_semaphore(%arg14 : memref<!tpu.dma_semaphore, #tpu.memory_space<semaphore_mem>>)
      %dma_start3A_70 = arith.constant 1568 : i32
      %dma_start3A_71 = tpu.memref_slice %arg8[%dma_start3A_70] : memref<3136xi32, #tpu.memory_space<vmem>> -> memref<1568xi32, #tpu.memory_space<vmem>>
      %dma_start3A_72 = tpu.memref_slice %arg3[%add3A_63] : memref<100000xi32, #tpu.memory_space<hbm>> -> memref<1568xi32, #tpu.memory_space<hbm>>
      %dma_start3A_73 = arith.constant 1568 : i32
      %dma_start3A_74 = tpu.memref_slice %arg8[%dma_start3A_73] : memref<3136xi32, #tpu.memory_space<vmem>> -> memref<1568xi32, #tpu.memory_space<vmem>>
      %dma_start3A_75 = tpu.memref_slice %arg3[%add3A_63] : memref<100000xi32, #tpu.memory_space<hbm>> -> memref<1568xi32, #tpu.memory_space<hbm>>
      tpu.enqueue_dma source(%dma_start3A_75 : memref<1568xi32, #tpu.memory_space<hbm>>) target(%dma_start3A_74 : memref<1568xi32, #tpu.memory_space<vmem>>) target_semaphore(%arg14 : memref<!tpu.dma_semaphore, #tpu.memory_space<semaphore_mem>>)
    } else {
    }
    %convert_element_type3A_17 = arith.extui %eq3A_3 : i1 to i32
    %cond3A_18 = arith.constant 0 : i32
    %cond3A_19 = arith.cmpi ne, %convert_element_type3A_17, %cond3A_18 : i32
    scf.if %cond3A_19 {
      %add3A_62 = arith.constant 1568 : i32
      %add3A_63 = arith.addi %mul3A_2, %add3A_62 : i32
      %dma_start3A_64 = arith.constant 1568 : i32
      %dma_start3A_65 = tpu.memref_slice %arg7[%dma_start3A_64] : memref<3136xf32, #tpu.memory_space<vmem>> -> memref<1216xf32, #tpu.memory_space<vmem>>
      %dma_start3A_66 = tpu.memref_slice %arg2[%add3A_63] : memref<100000xf32, #tpu.memory_space<hbm>> -> memref<1216xf32, #tpu.memory_space<hbm>>
      %dma_start3A_67 = arith.constant 1568 : i32
      %dma_start3A_68 = tpu.memref_slice %arg7[%dma_start3A_67] : memref<3136xf32, #tpu.memory_space<vmem>> -> memref<1216xf32, #tpu.memory_space<vmem>>
      %dma_start3A_69 = tpu.memref_slice %arg2[%add3A_63] : memref<100000xf32, #tpu.memory_space<hbm>> -> memref<1216xf32, #tpu.memory_space<hbm>>
      tpu.enqueue_dma source(%dma_start3A_69 : memref<1216xf32, #tpu.memory_space<hbm>>) target(%dma_start3A_68 : memref<1216xf32, #tpu.memory_space<vmem>>) target_semaphore(%arg14 : memref<!tpu.dma_semaphore, #tpu.memory_space<semaphore_mem>>)
      %dma_start3A_70 = arith.constant 1568 : i32
      %dma_start3A_71 = tpu.memref_slice %arg8[%dma_start3A_70] : memref<3136xi32, #tpu.memory_space<vmem>> -> memref<1216xi32, #tpu.memory_space<vmem>>
      %dma_start3A_72 = tpu.memref_slice %arg3[%add3A_63] : memref<100000xi32, #tpu.memory_space<hbm>> -> memref<1216xi32, #tpu.memory_space<hbm>>
      %dma_start3A_73 = arith.constant 1568 : i32
      %dma_start3A_74 = tpu.memref_slice %arg8[%dma_start3A_73] : memref<3136xi32, #tpu.memory_space<vmem>> -> memref<1216xi32, #tpu.memory_space<vmem>>
      %dma_start3A_75 = tpu.memref_slice %arg3[%add3A_63] : memref<100000xi32, #tpu.memory_space<hbm>> -> memref<1216xi32, #tpu.memory_space<hbm>>
      tpu.enqueue_dma source(%dma_start3A_75 : memref<1216xi32, #tpu.memory_space<hbm>>) target(%dma_start3A_74 : memref<1216xi32, #tpu.memory_space<vmem>>) target_semaphore(%arg14 : memref<!tpu.dma_semaphore, #tpu.memory_space<semaphore_mem>>)
    } else {
    }
    %broadcast_in_dim3A = arith.constant 0.000000e+00 : f32
    %broadcast_in_dim3A_20 = vector.broadcast %broadcast_in_dim3A : f32 to vector<16xf32>
    %parallel_loop3A = arith.constant 0 : i32
    %parallel_loop3A_21 = arith.constant 64 : i32
    %parallel_loop3A_22 = arith.constant 1 : i32
    scf.for %parallel_loop3A_62 = %parallel_loop3A to %parallel_loop3A_21 step %parallel_loop3A_22  : i32 {
      %parallel_loop3A_63 = arith.constant 16 : i32
      %parallel_loop3A_64 = arith.muli %parallel_loop3A_62, %parallel_loop3A_63 : i32
      %parallel_loop3A_65 = arith.index_cast %parallel_loop3A_64 : i32 to index
      %parallel_loop3A_66 = tpu.vector_load %arg11[%parallel_loop3A_65] {strides = array<i32>} : memref<1024xf32, #tpu.memory_space<vmem>>, vector<16xf32>,
      tpu.vector_store %arg11[%parallel_loop3A_65], %broadcast_in_dim3A_20 {strides = array<i32>} : memref<1024xf32, #tpu.memory_space<vmem>>, vector<16xf32>,
    } {sc.loop_unroll_factor = 4 : i64, sc.parallel_access}
    tpu.wait_dma2 semaphore(%arg13 : memref<!tpu.dma_semaphore, #tpu.memory_space<semaphore_mem>>) src(%arg4 : memref<119xf32, #tpu.memory_space<hbm>>) dst(%arg10 : memref<119xf32, #tpu.memory_space<vmem>>)
    %dma_wait3A = arith.constant 0 : i32
    %dma_wait3A_23 = tpu.memref_slice %arg7[%dma_wait3A] : memref<3136xf32, #tpu.memory_space<vmem>> -> memref<1568xf32, #tpu.memory_space<vmem>>
    %dma_wait3A_24 = tpu.memref_slice %arg2[%mul3A_2] : memref<100000xf32, #tpu.memory_space<hbm>> -> memref<1568xf32, #tpu.memory_space<hbm>>
    %dma_wait3A_25 = arith.constant 0 : i32
    %dma_wait3A_26 = tpu.memref_slice %arg7[%dma_wait3A_25] : memref<3136xf32, #tpu.memory_space<vmem>> -> memref<1568xf32, #tpu.memory_space<vmem>>
    %dma_wait3A_27 = tpu.memref_slice %arg2[%mul3A_2] : memref<100000xf32, #tpu.memory_space<hbm>> -> memref<1568xf32, #tpu.memory_space<hbm>>
    tpu.wait_dma2 semaphore(%arg13 : memref<!tpu.dma_semaphore, #tpu.memory_space<semaphore_mem>>) src(%dma_wait3A_27 : memref<1568xf32, #tpu.memory_space<hbm>>) dst(%dma_wait3A_26 : memref<1568xf32, #tpu.memory_space<vmem>>)
    %dma_wait3A_28 = arith.constant 0 : i32
    %dma_wait3A_29 = tpu.memref_slice %arg8[%dma_wait3A_28] : memref<3136xi32, #tpu.memory_space<vmem>> -> memref<1568xi32, #tpu.memory_space<vmem>>
    %dma_wait3A_30 = tpu.memref_slice %arg3[%mul3A_2] : memref<100000xi32, #tpu.memory_space<hbm>> -> memref<1568xi32, #tpu.memory_space<hbm>>
    %dma_wait3A_31 = arith.constant 0 : i32
    %dma_wait3A_32 = tpu.memref_slice %arg8[%dma_wait3A_31] : memref<3136xi32, #tpu.memory_space<vmem>> -> memref<1568xi32, #tpu.memory_space<vmem>>
    %dma_wait3A_33 = tpu.memref_slice %arg3[%mul3A_2] : memref<100000xi32, #tpu.memory_space<hbm>> -> memref<1568xi32, #tpu.memory_space<hbm>>
    tpu.wait_dma2 semaphore(%arg13 : memref<!tpu.dma_semaphore, #tpu.memory_space<semaphore_mem>>) src(%dma_wait3A_33 : memref<1568xi32, #tpu.memory_space<hbm>>) dst(%dma_wait3A_32 : memref<1568xi32, #tpu.memory_space<vmem>>)
    %iota3A = tpu.iota {dimensions = array<i32: 0>} : vector<16xi32>
    %mul3A_34 = arith.constant 64 : i32
    %mul3A_35 = vector.broadcast %mul3A_34 : i32 to vector<16xi32>
    %mul3A_36 = arith.muli %iota3A, %mul3A_35 : vector<16xi32>
    %parallel_loop3A_37 = arith.constant 0 : i32
    %parallel_loop3A_38 = arith.constant 98 : i32
    %parallel_loop3A_39 = arith.constant 1 : i32
    scf.for %parallel_loop3A_62 = %parallel_loop3A_37 to %parallel_loop3A_38 step %parallel_loop3A_39  : i32 {
      %parallel_loop3A_63 = arith.constant 16 : i32
      %parallel_loop3A_64 = arith.muli %parallel_loop3A_62, %parallel_loop3A_63 : i32
      %parallel_loop3A_65 = arith.index_cast %parallel_loop3A_64 : i32 to index
      %parallel_loop3A_66 = tpu.vector_load %arg8[%parallel_loop3A_65] {strides = array<i32>} : memref<3136xi32, #tpu.memory_space<vmem>>, vector<16xi32>,
      %parallel_loop3A_67 = arith.constant 127 : i32
      %parallel_loop3A_68 = vector.broadcast %parallel_loop3A_67 : i32 to vector<16xi32>
      %parallel_loop3A_69 = arith.andi %parallel_loop3A_66, %parallel_loop3A_68 : vector<16xi32>
      %parallel_loop3A_70 = arith.constant 8 : i32
      %parallel_loop3A_71 = vector.broadcast %parallel_loop3A_70 : i32 to vector<16xi32>
      %parallel_loop3A_72 = arith.shrsi %parallel_loop3A_66, %parallel_loop3A_71 : vector<16xi32>
      %parallel_loop3A_73 = arith.constant 63 : i32
      %parallel_loop3A_74 = vector.broadcast %parallel_loop3A_73 : i32 to vector<16xi32>
      %parallel_loop3A_75 = arith.andi %parallel_loop3A_72, %parallel_loop3A_74 : vector<16xi32>
      %parallel_loop3A_76 = arith.constant 16 : i32
      %parallel_loop3A_77 = vector.broadcast %parallel_loop3A_76 : i32 to vector<16xi32>
      %parallel_loop3A_78 = arith.shrsi %parallel_loop3A_66, %parallel_loop3A_77 : vector<16xi32>
      %parallel_loop3A_79 = arith.constant 1 : i32
      %parallel_loop3A_80 = vector.broadcast %parallel_loop3A_79 : i32 to vector<16xi32>
      %parallel_loop3A_81 = arith.andi %parallel_loop3A_78, %parallel_loop3A_80 : vector<16xi32>
      %parallel_loop3A_82 = tpu.vector_load_idx %arg10[%parallel_loop3A_69] : memref<119xf32, #tpu.memory_space<vmem>>[vector<16xi32>], vector<16xf32>,
      %parallel_loop3A_83 = arith.sitofp %parallel_loop3A_81 : vector<16xi32> to vector<16xf32>
      %parallel_loop3A_84 = arith.index_cast %parallel_loop3A_64 : i32 to index
      %parallel_loop3A_85 = tpu.vector_load %arg7[%parallel_loop3A_84] {strides = array<i32>} : memref<3136xf32, #tpu.memory_space<vmem>>, vector<16xf32>,
      %parallel_loop3A_86 = arith.mulf %parallel_loop3A_82, %parallel_loop3A_83 : vector<16xf32>
      %parallel_loop3A_87 = arith.addf %parallel_loop3A_85, %parallel_loop3A_86 : vector<16xf32>
      %parallel_loop3A_88 = arith.index_cast %parallel_loop3A_64 : i32 to index
      %parallel_loop3A_89 = tpu.vector_load %arg9[%parallel_loop3A_88] {strides = array<i32>} : memref<3136xf32, #tpu.memory_space<vmem>>, vector<16xf32>,
      tpu.vector_store %arg9[%parallel_loop3A_88], %parallel_loop3A_87 {strides = array<i32>} : memref<3136xf32, #tpu.memory_space<vmem>>, vector<16xf32>,
      %parallel_loop3A_90 = arith.addi %mul3A_36, %parallel_loop3A_75 : vector<16xi32>
      %parallel_loop3A_91 = arith.mulf %parallel_loop3A_87, %parallel_loop3A_83 : vector<16xf32>
      tpu.vector_store_idx %arg11[%parallel_loop3A_90], %parallel_loop3A_91 {add = true} : memref<1024xf32, #tpu.memory_space<vmem>>[vector<16xi32>], vector<16xf32>,
    } {sc.loop_unroll_factor = 8 : i64, sc.parallel_access}
    %not3A_40 = arith.constant true
    %not3A_41 = arith.xori %eq3A_3, %not3A_40 : i1
    %convert_element_type3A_42 = arith.extui %not3A_41 : i1 to i32
    %cond3A_43 = arith.constant 0 : i32
    %cond3A_44 = arith.cmpi ne, %convert_element_type3A_42, %cond3A_43 : i32
    scf.if %cond3A_44 {
      %dma_wait3A_62 = arith.constant 0 : i32
      %dma_wait3A_63 = tpu.memref_slice %arg7[%dma_wait3A_62] : memref<3136xf32, #tpu.memory_space<vmem>> -> memref<1568xf32, #tpu.memory_space<vmem>>
      %dma_wait3A_64 = arith.constant 0 : i32
      %dma_wait3A_65 = tpu.memref_slice %arg2[%dma_wait3A_64] : memref<100000xf32, #tpu.memory_space<hbm>> -> memref<1568xf32, #tpu.memory_space<hbm>>
      %dma_wait3A_66 = arith.constant 0 : i32
      %dma_wait3A_67 = tpu.memref_slice %arg7[%dma_wait3A_66] : memref<3136xf32, #tpu.memory_space<vmem>> -> memref<1568xf32, #tpu.memory_space<vmem>>
      %dma_wait3A_68 = arith.constant 0 : i32
      %dma_wait3A_69 = tpu.memref_slice %arg2[%dma_wait3A_68] : memref<100000xf32, #tpu.memory_space<hbm>> -> memref<1568xf32, #tpu.memory_space<hbm>>
      tpu.wait_dma2 semaphore(%arg14 : memref<!tpu.dma_semaphore, #tpu.memory_space<semaphore_mem>>) src(%dma_wait3A_69 : memref<1568xf32, #tpu.memory_space<hbm>>) dst(%dma_wait3A_67 : memref<1568xf32, #tpu.memory_space<vmem>>)
      %dma_wait3A_70 = arith.constant 0 : i32
      %dma_wait3A_71 = tpu.memref_slice %arg7[%dma_wait3A_70] : memref<3136xf32, #tpu.memory_space<vmem>> -> memref<1568xf32, #tpu.memory_space<vmem>>
      %dma_wait3A_72 = arith.constant 0 : i32
      %dma_wait3A_73 = tpu.memref_slice %arg2[%dma_wait3A_72] : memref<100000xf32, #tpu.memory_space<hbm>> -> memref<1568xf32, #tpu.memory_space<hbm>>
      %dma_wait3A_74 = arith.constant 0 : i32
      %dma_wait3A_75 = tpu.memref_slice %arg7[%dma_wait3A_74] : memref<3136xf32, #tpu.memory_space<vmem>> -> memref<1568xf32, #tpu.memory_space<vmem>>
      %dma_wait3A_76 = arith.constant 0 : i32
      %dma_wait3A_77 = tpu.memref_slice %arg2[%dma_wait3A_76] : memref<100000xf32, #tpu.memory_space<hbm>> -> memref<1568xf32, #tpu.memory_space<hbm>>
      tpu.wait_dma2 semaphore(%arg14 : memref<!tpu.dma_semaphore, #tpu.memory_space<semaphore_mem>>) src(%dma_wait3A_77 : memref<1568xf32, #tpu.memory_space<hbm>>) dst(%dma_wait3A_75 : memref<1568xf32, #tpu.memory_space<vmem>>)
    } else {
    }
    %convert_element_type3A_45 = arith.extui %eq3A_3 : i1 to i32
    %cond3A_46 = arith.constant 0 : i32
    %cond3A_47 = arith.cmpi ne, %convert_element_type3A_45, %cond3A_46 : i32
    scf.if %cond3A_47 {
      %dma_wait3A_62 = arith.constant 0 : i32
      %dma_wait3A_63 = tpu.memref_slice %arg7[%dma_wait3A_62] : memref<3136xf32, #tpu.memory_space<vmem>> -> memref<1216xf32, #tpu.memory_space<vmem>>
      %dma_wait3A_64 = arith.constant 0 : i32
      %dma_wait3A_65 = tpu.memref_slice %arg2[%dma_wait3A_64] : memref<100000xf32, #tpu.memory_space<hbm>> -> memref<1216xf32, #tpu.memory_space<hbm>>
      %dma_wait3A_66 = arith.constant 0 : i32
      %dma_wait3A_67 = tpu.memref_slice %arg7[%dma_wait3A_66] : memref<3136xf32, #tpu.memory_space<vmem>> -> memref<1216xf32, #tpu.memory_space<vmem>>
      %dma_wait3A_68 = arith.constant 0 : i32
      %dma_wait3A_69 = tpu.memref_slice %arg2[%dma_wait3A_68] : memref<100000xf32, #tpu.memory_space<hbm>> -> memref<1216xf32, #tpu.memory_space<hbm>>
      tpu.wait_dma2 semaphore(%arg14 : memref<!tpu.dma_semaphore, #tpu.memory_space<semaphore_mem>>) src(%dma_wait3A_69 : memref<1216xf32, #tpu.memory_space<hbm>>) dst(%dma_wait3A_67 : memref<1216xf32, #tpu.memory_space<vmem>>)
      %dma_wait3A_70 = arith.constant 0 : i32
      %dma_wait3A_71 = tpu.memref_slice %arg7[%dma_wait3A_70] : memref<3136xf32, #tpu.memory_space<vmem>> -> memref<1216xf32, #tpu.memory_space<vmem>>
      %dma_wait3A_72 = arith.constant 0 : i32
      %dma_wait3A_73 = tpu.memref_slice %arg2[%dma_wait3A_72] : memref<100000xf32, #tpu.memory_space<hbm>> -> memref<1216xf32, #tpu.memory_space<hbm>>
      %dma_wait3A_74 = arith.constant 0 : i32
      %dma_wait3A_75 = tpu.memref_slice %arg7[%dma_wait3A_74] : memref<3136xf32, #tpu.memory_space<vmem>> -> memref<1216xf32, #tpu.memory_space<vmem>>
      %dma_wait3A_76 = arith.constant 0 : i32
      %dma_wait3A_77 = tpu.memref_slice %arg2[%dma_wait3A_76] : memref<100000xf32, #tpu.memory_space<hbm>> -> memref<1216xf32, #tpu.memory_space<hbm>>
      tpu.wait_dma2 semaphore(%arg14 : memref<!tpu.dma_semaphore, #tpu.memory_space<semaphore_mem>>) src(%dma_wait3A_77 : memref<1216xf32, #tpu.memory_space<hbm>>) dst(%dma_wait3A_75 : memref<1216xf32, #tpu.memory_space<vmem>>)
    } else {
    }
    %jit3A = arith.constant 174 : i32
    %jit3A_48 = arith.constant 196 : i32
    %select_n3A = arith.select %eq3A_3, %jit3A, %jit3A_48 : i32
    %parallel_loop3A_49 = arith.constant 98 : i32
    %parallel_loop3A_50 = arith.constant 1 : i32
    scf.for %parallel_loop3A_62 = %parallel_loop3A_49 to %select_n3A step %parallel_loop3A_50  : i32 {
      %parallel_loop3A_63 = arith.constant 16 : i32
      %parallel_loop3A_64 = arith.muli %parallel_loop3A_62, %parallel_loop3A_63 : i32
      %parallel_loop3A_65 = arith.index_cast %parallel_loop3A_64 : i32 to index
      %parallel_loop3A_66 = tpu.vector_load %arg8[%parallel_loop3A_65] {strides = array<i32>} : memref<3136xi32, #tpu.memory_space<vmem>>, vector<16xi32>,
      %parallel_loop3A_67 = arith.constant 127 : i32
      %parallel_loop3A_68 = vector.broadcast %parallel_loop3A_67 : i32 to vector<16xi32>
      %parallel_loop3A_69 = arith.andi %parallel_loop3A_66, %parallel_loop3A_68 : vector<16xi32>
      %parallel_loop3A_70 = arith.constant 8 : i32
      %parallel_loop3A_71 = vector.broadcast %parallel_loop3A_70 : i32 to vector<16xi32>
      %parallel_loop3A_72 = arith.shrsi %parallel_loop3A_66, %parallel_loop3A_71 : vector<16xi32>
      %parallel_loop3A_73 = arith.constant 63 : i32
      %parallel_loop3A_74 = vector.broadcast %parallel_loop3A_73 : i32 to vector<16xi32>
      %parallel_loop3A_75 = arith.andi %parallel_loop3A_72, %parallel_loop3A_74 : vector<16xi32>
      %parallel_loop3A_76 = arith.constant 16 : i32
      %parallel_loop3A_77 = vector.broadcast %parallel_loop3A_76 : i32 to vector<16xi32>
      %parallel_loop3A_78 = arith.shrsi %parallel_loop3A_66, %parallel_loop3A_77 : vector<16xi32>
      %parallel_loop3A_79 = arith.constant 1 : i32
      %parallel_loop3A_80 = vector.broadcast %parallel_loop3A_79 : i32 to vector<16xi32>
      %parallel_loop3A_81 = arith.andi %parallel_loop3A_78, %parallel_loop3A_80 : vector<16xi32>
      %parallel_loop3A_82 = tpu.vector_load_idx %arg10[%parallel_loop3A_69] : memref<119xf32, #tpu.memory_space<vmem>>[vector<16xi32>], vector<16xf32>,
      %parallel_loop3A_83 = arith.sitofp %parallel_loop3A_81 : vector<16xi32> to vector<16xf32>
      %parallel_loop3A_84 = arith.index_cast %parallel_loop3A_64 : i32 to index
      %parallel_loop3A_85 = tpu.vector_load %arg7[%parallel_loop3A_84] {strides = array<i32>} : memref<3136xf32, #tpu.memory_space<vmem>>, vector<16xf32>,
      %parallel_loop3A_86 = arith.mulf %parallel_loop3A_82, %parallel_loop3A_83 : vector<16xf32>
      %parallel_loop3A_87 = arith.addf %parallel_loop3A_85, %parallel_loop3A_86 : vector<16xf32>
      %parallel_loop3A_88 = arith.index_cast %parallel_loop3A_64 : i32 to index
      %parallel_loop3A_89 = tpu.vector_load %arg9[%parallel_loop3A_88] {strides = array<i32>} : memref<3136xf32, #tpu.memory_space<vmem>>, vector<16xf32>,
      tpu.vector_store %arg9[%parallel_loop3A_88], %parallel_loop3A_87 {strides = array<i32>} : memref<3136xf32, #tpu.memory_space<vmem>>, vector<16xf32>,
      %parallel_loop3A_90 = arith.addi %mul3A_36, %parallel_loop3A_75 : vector<16xi32>
      %parallel_loop3A_91 = arith.mulf %parallel_loop3A_87, %parallel_loop3A_83 : vector<16xf32>
      tpu.vector_store_idx %arg11[%parallel_loop3A_90], %parallel_loop3A_91 {add = true} : memref<1024xf32, #tpu.memory_space<vmem>>[vector<16xi32>], vector<16xf32>,
    } {sc.loop_unroll_factor = 8 : i64, sc.parallel_access}
    %parallel_loop3A_51 = arith.constant 0 : i32
    %parallel_loop3A_52 = arith.constant 4 : i32
    %parallel_loop3A_53 = arith.constant 1 : i32
    scf.for %parallel_loop3A_62 = %parallel_loop3A_51 to %parallel_loop3A_52 step %parallel_loop3A_53  : i32 {
      %parallel_loop3A_63 = arith.constant 0.000000e+00 : f32
      %parallel_loop3A_64 = vector.broadcast %parallel_loop3A_63 : f32 to vector<16xf32>
      %parallel_loop3A_65 = arith.constant 16 : i32
      %parallel_loop3A_66 = arith.muli %parallel_loop3A_62, %parallel_loop3A_65 : i32
      %parallel_loop3A_67 = arith.constant 0 : i32
      %parallel_loop3A_68 = arith.addi %parallel_loop3A_67, %parallel_loop3A_66 : i32
      %parallel_loop3A_69 = arith.index_cast %parallel_loop3A_68 : i32 to index
      %parallel_loop3A_70 = tpu.vector_load %arg11[%parallel_loop3A_69] {strides = array<i32>} : memref<1024xf32, #tpu.memory_space<vmem>>, vector<16xf32>,
      %parallel_loop3A_71 = arith.addf %parallel_loop3A_64, %parallel_loop3A_70 : vector<16xf32>
      %parallel_loop3A_72 = arith.constant 16 : i32
      %parallel_loop3A_73 = arith.muli %parallel_loop3A_62, %parallel_loop3A_72 : i32
      %parallel_loop3A_74 = arith.constant 64 : i32
      %parallel_loop3A_75 = arith.addi %parallel_loop3A_74, %parallel_loop3A_73 : i32
      %parallel_loop3A_76 = arith.index_cast %parallel_loop3A_75 : i32 to index
      %parallel_loop3A_77 = tpu.vector_load %arg11[%parallel_loop3A_76] {strides = array<i32>} : memref<1024xf32, #tpu.memory_space<vmem>>, vector<16xf32>,
      %parallel_loop3A_78 = arith.addf %parallel_loop3A_71, %parallel_loop3A_77 : vector<16xf32>
      %parallel_loop3A_79 = arith.constant 16 : i32
      %parallel_loop3A_80 = arith.muli %parallel_loop3A_62, %parallel_loop3A_79 : i32
      %parallel_loop3A_81 = arith.constant 128 : i32
      %parallel_loop3A_82 = arith.addi %parallel_loop3A_81, %parallel_loop3A_80 : i32
      %parallel_loop3A_83 = arith.index_cast %parallel_loop3A_82 : i32 to index
      %parallel_loop3A_84 = tpu.vector_load %arg11[%parallel_loop3A_83] {strides = array<i32>} : memref<1024xf32, #tpu.memory_space<vmem>>, vector<16xf32>,
      %parallel_loop3A_85 = arith.addf %parallel_loop3A_78, %parallel_loop3A_84 : vector<16xf32>
      %parallel_loop3A_86 = arith.constant 16 : i32
      %parallel_loop3A_87 = arith.muli %parallel_loop3A_62, %parallel_loop3A_86 : i32
      %parallel_loop3A_88 = arith.constant 192 : i32
      %parallel_loop3A_89 = arith.addi %parallel_loop3A_88, %parallel_loop3A_87 : i32
      %parallel_loop3A_90 = arith.index_cast %parallel_loop3A_89 : i32 to index
      %parallel_loop3A_91 = tpu.vector_load %arg11[%parallel_loop3A_90] {strides = array<i32>} : memref<1024xf32, #tpu.memory_space<vmem>>, vector<16xf32>,
      %parallel_loop3A_92 = arith.addf %parallel_loop3A_85, %parallel_loop3A_91 : vector<16xf32>
      %parallel_loop3A_93 = arith.constant 16 : i32
      %parallel_loop3A_94 = arith.muli %parallel_loop3A_62, %parallel_loop3A_93 : i32
      %parallel_loop3A_95 = arith.constant 256 : i32
      %parallel_loop3A_96 = arith.addi %parallel_loop3A_95, %parallel_loop3A_94 : i32
      %parallel_loop3A_97 = arith.index_cast %parallel_loop3A_96 : i32 to index
      %parallel_loop3A_98 = tpu.vector_load %arg11[%parallel_loop3A_97] {strides = array<i32>} : memref<1024xf32, #tpu.memory_space<vmem>>, vector<16xf32>,
      %parallel_loop3A_99 = arith.addf %parallel_loop3A_92, %parallel_loop3A_98 : vector<16xf32>
      %parallel_loop3A_100 = arith.constant 16 : i32
      %parallel_loop3A_101 = arith.muli %parallel_loop3A_62, %parallel_loop3A_100 : i32
      %parallel_loop3A_102 = arith.constant 320 : i32
      %parallel_loop3A_103 = arith.addi %parallel_loop3A_102, %parallel_loop3A_101 : i32
      %parallel_loop3A_104 = arith.index_cast %parallel_loop3A_103 : i32 to index
      %parallel_loop3A_105 = tpu.vector_load %arg11[%parallel_loop3A_104] {strides = array<i32>} : memref<1024xf32, #tpu.memory_space<vmem>>, vector<16xf32>,
      %parallel_loop3A_106 = arith.addf %parallel_loop3A_99, %parallel_loop3A_105 : vector<16xf32>
      %parallel_loop3A_107 = arith.constant 16 : i32
      %parallel_loop3A_108 = arith.muli %parallel_loop3A_62, %parallel_loop3A_107 : i32
      %parallel_loop3A_109 = arith.constant 384 : i32
      %parallel_loop3A_110 = arith.addi %parallel_loop3A_109, %parallel_loop3A_108 : i32
      %parallel_loop3A_111 = arith.index_cast %parallel_loop3A_110 : i32 to index
      %parallel_loop3A_112 = tpu.vector_load %arg11[%parallel_loop3A_111] {strides = array<i32>} : memref<1024xf32, #tpu.memory_space<vmem>>, vector<16xf32>,
      %parallel_loop3A_113 = arith.addf %parallel_loop3A_106, %parallel_loop3A_112 : vector<16xf32>
      %parallel_loop3A_114 = arith.constant 16 : i32
      %parallel_loop3A_115 = arith.muli %parallel_loop3A_62, %parallel_loop3A_114 : i32
      %parallel_loop3A_116 = arith.constant 448 : i32
      %parallel_loop3A_117 = arith.addi %parallel_loop3A_116, %parallel_loop3A_115 : i32
      %parallel_loop3A_118 = arith.index_cast %parallel_loop3A_117 : i32 to index
      %parallel_loop3A_119 = tpu.vector_load %arg11[%parallel_loop3A_118] {strides = array<i32>} : memref<1024xf32, #tpu.memory_space<vmem>>, vector<16xf32>,
      %parallel_loop3A_120 = arith.addf %parallel_loop3A_113, %parallel_loop3A_119 : vector<16xf32>
      %parallel_loop3A_121 = arith.constant 16 : i32
      %parallel_loop3A_122 = arith.muli %parallel_loop3A_62, %parallel_loop3A_121 : i32
      %parallel_loop3A_123 = arith.constant 512 : i32
      %parallel_loop3A_124 = arith.addi %parallel_loop3A_123, %parallel_loop3A_122 : i32
      %parallel_loop3A_125 = arith.index_cast %parallel_loop3A_124 : i32 to index
      %parallel_loop3A_126 = tpu.vector_load %arg11[%parallel_loop3A_125] {strides = array<i32>} : memref<1024xf32, #tpu.memory_space<vmem>>, vector<16xf32>,
      %parallel_loop3A_127 = arith.addf %parallel_loop3A_120, %parallel_loop3A_126 : vector<16xf32>
      %parallel_loop3A_128 = arith.constant 16 : i32
      %parallel_loop3A_129 = arith.muli %parallel_loop3A_62, %parallel_loop3A_128 : i32
      %parallel_loop3A_130 = arith.constant 576 : i32
      %parallel_loop3A_131 = arith.addi %parallel_loop3A_130, %parallel_loop3A_129 : i32
      %parallel_loop3A_132 = arith.index_cast %parallel_loop3A_131 : i32 to index
      %parallel_loop3A_133 = tpu.vector_load %arg11[%parallel_loop3A_132] {strides = array<i32>} : memref<1024xf32, #tpu.memory_space<vmem>>, vector<16xf32>,
      %parallel_loop3A_134 = arith.addf %parallel_loop3A_127, %parallel_loop3A_133 : vector<16xf32>
      %parallel_loop3A_135 = arith.constant 16 : i32
      %parallel_loop3A_136 = arith.muli %parallel_loop3A_62, %parallel_loop3A_135 : i32
      %parallel_loop3A_137 = arith.constant 640 : i32
      %parallel_loop3A_138 = arith.addi %parallel_loop3A_137, %parallel_loop3A_136 : i32
      %parallel_loop3A_139 = arith.index_cast %parallel_loop3A_138 : i32 to index
      %parallel_loop3A_140 = tpu.vector_load %arg11[%parallel_loop3A_139] {strides = array<i32>} : memref<1024xf32, #tpu.memory_space<vmem>>, vector<16xf32>,
      %parallel_loop3A_141 = arith.addf %parallel_loop3A_134, %parallel_loop3A_140 : vector<16xf32>
      %parallel_loop3A_142 = arith.constant 16 : i32
      %parallel_loop3A_143 = arith.muli %parallel_loop3A_62, %parallel_loop3A_142 : i32
      %parallel_loop3A_144 = arith.constant 704 : i32
      %parallel_loop3A_145 = arith.addi %parallel_loop3A_144, %parallel_loop3A_143 : i32
      %parallel_loop3A_146 = arith.index_cast %parallel_loop3A_145 : i32 to index
      %parallel_loop3A_147 = tpu.vector_load %arg11[%parallel_loop3A_146] {strides = array<i32>} : memref<1024xf32, #tpu.memory_space<vmem>>, vector<16xf32>,
      %parallel_loop3A_148 = arith.addf %parallel_loop3A_141, %parallel_loop3A_147 : vector<16xf32>
      %parallel_loop3A_149 = arith.constant 16 : i32
      %parallel_loop3A_150 = arith.muli %parallel_loop3A_62, %parallel_loop3A_149 : i32
      %parallel_loop3A_151 = arith.constant 768 : i32
      %parallel_loop3A_152 = arith.addi %parallel_loop3A_151, %parallel_loop3A_150 : i32
      %parallel_loop3A_153 = arith.index_cast %parallel_loop3A_152 : i32 to index
      %parallel_loop3A_154 = tpu.vector_load %arg11[%parallel_loop3A_153] {strides = array<i32>} : memref<1024xf32, #tpu.memory_space<vmem>>, vector<16xf32>,
      %parallel_loop3A_155 = arith.addf %parallel_loop3A_148, %parallel_loop3A_154 : vector<16xf32>
      %parallel_loop3A_156 = arith.constant 16 : i32
      %parallel_loop3A_157 = arith.muli %parallel_loop3A_62, %parallel_loop3A_156 : i32
      %parallel_loop3A_158 = arith.constant 832 : i32
      %parallel_loop3A_159 = arith.addi %parallel_loop3A_158, %parallel_loop3A_157 : i32
      %parallel_loop3A_160 = arith.index_cast %parallel_loop3A_159 : i32 to index
      %parallel_loop3A_161 = tpu.vector_load %arg11[%parallel_loop3A_160] {strides = array<i32>} : memref<1024xf32, #tpu.memory_space<vmem>>, vector<16xf32>,
      %parallel_loop3A_162 = arith.addf %parallel_loop3A_155, %parallel_loop3A_161 : vector<16xf32>
      %parallel_loop3A_163 = arith.constant 16 : i32
      %parallel_loop3A_164 = arith.muli %parallel_loop3A_62, %parallel_loop3A_163 : i32
      %parallel_loop3A_165 = arith.constant 896 : i32
      %parallel_loop3A_166 = arith.addi %parallel_loop3A_165, %parallel_loop3A_164 : i32
      %parallel_loop3A_167 = arith.index_cast %parallel_loop3A_166 : i32 to index
      %parallel_loop3A_168 = tpu.vector_load %arg11[%parallel_loop3A_167] {strides = array<i32>} : memref<1024xf32, #tpu.memory_space<vmem>>, vector<16xf32>,
      %parallel_loop3A_169 = arith.addf %parallel_loop3A_162, %parallel_loop3A_168 : vector<16xf32>
      %parallel_loop3A_170 = arith.constant 16 : i32
      %parallel_loop3A_171 = arith.muli %parallel_loop3A_62, %parallel_loop3A_170 : i32
      %parallel_loop3A_172 = arith.constant 960 : i32
      %parallel_loop3A_173 = arith.addi %parallel_loop3A_172, %parallel_loop3A_171 : i32
      %parallel_loop3A_174 = arith.index_cast %parallel_loop3A_173 : i32 to index
      %parallel_loop3A_175 = tpu.vector_load %arg11[%parallel_loop3A_174] {strides = array<i32>} : memref<1024xf32, #tpu.memory_space<vmem>>, vector<16xf32>,
      %parallel_loop3A_176 = arith.addf %parallel_loop3A_169, %parallel_loop3A_175 : vector<16xf32>
      %parallel_loop3A_177 = arith.constant 16 : i32
      %parallel_loop3A_178 = arith.muli %parallel_loop3A_62, %parallel_loop3A_177 : i32
      %parallel_loop3A_179 = arith.index_cast %parallel_loop3A_178 : i32 to index
      %parallel_loop3A_180 = tpu.vector_load %arg12[%parallel_loop3A_179] {strides = array<i32>} : memref<64xf32, #tpu.memory_space<vmem>>, vector<16xf32>,
      tpu.vector_store %arg12[%parallel_loop3A_179], %parallel_loop3A_176 {strides = array<i32>} : memref<64xf32, #tpu.memory_space<vmem>>, vector<16xf32>,
    } {sc.loop_unroll_factor = 2 : i64, sc.parallel_access}
    "tpu.region"() ({
      %run_scoped3A = tpu.sem_alloc : memref<!tpu.dma_semaphore, #tpu.memory_space<semaphore_mem>>
      %dma_start3A_62 = arith.constant 0 : i32
      %dma_start3A_63 = tpu.memref_slice %arg6[%add3A, %dma_start3A_62] : memref<32x64xf32, #tpu.memory_space<hbm>> -> memref<1x64xf32, #tpu.memory_space<hbm>>
      %dma_start3A_64 = tpu.memref_squeeze %dma_start3A_63 : memref<1x64xf32, #tpu.memory_space<hbm>> -> memref<64xf32, #tpu.memory_space<hbm>>
      %dma_start3A_65 = arith.constant 0 : i32
      %dma_start3A_66 = tpu.memref_slice %arg6[%add3A, %dma_start3A_65] : memref<32x64xf32, #tpu.memory_space<hbm>> -> memref<1x64xf32, #tpu.memory_space<hbm>>
      %dma_start3A_67 = tpu.memref_squeeze %dma_start3A_66 : memref<1x64xf32, #tpu.memory_space<hbm>> -> memref<64xf32, #tpu.memory_space<hbm>>
      tpu.enqueue_dma source(%arg12 : memref<64xf32, #tpu.memory_space<vmem>>) target(%dma_start3A_67 : memref<64xf32, #tpu.memory_space<hbm>>) target_semaphore(%run_scoped3A : memref<!tpu.dma_semaphore, #tpu.memory_space<semaphore_mem>>)
      %dma_wait3A_68 = arith.constant 0 : i32
      %dma_wait3A_69 = tpu.memref_slice %arg6[%add3A, %dma_wait3A_68] : memref<32x64xf32, #tpu.memory_space<hbm>> -> memref<1x64xf32, #tpu.memory_space<hbm>>
      %dma_wait3A_70 = tpu.memref_squeeze %dma_wait3A_69 : memref<1x64xf32, #tpu.memory_space<hbm>> -> memref<64xf32, #tpu.memory_space<hbm>>
      %dma_wait3A_71 = arith.constant 0 : i32
      %dma_wait3A_72 = tpu.memref_slice %arg6[%add3A, %dma_wait3A_71] : memref<32x64xf32, #tpu.memory_space<hbm>> -> memref<1x64xf32, #tpu.memory_space<hbm>>
      %dma_wait3A_73 = tpu.memref_squeeze %dma_wait3A_72 : memref<1x64xf32, #tpu.memory_space<hbm>> -> memref<64xf32, #tpu.memory_space<hbm>>
      tpu.wait_dma2 semaphore(%run_scoped3A : memref<!tpu.dma_semaphore, #tpu.memory_space<semaphore_mem>>) src(%arg12 : memref<64xf32, #tpu.memory_space<vmem>>) dst(%dma_wait3A_73 : memref<64xf32, #tpu.memory_space<hbm>>)
      tpu.yield
    }) : () -> ()
    %not3A_54 = arith.constant true
    %not3A_55 = arith.xori %eq3A_3, %not3A_54 : i1
    %convert_element_type3A_56 = arith.extui %not3A_55 : i1 to i32
    %cond3A_57 = arith.constant 0 : i32
    %cond3A_58 = arith.cmpi ne, %convert_element_type3A_56, %cond3A_57 : i32
    scf.if %cond3A_58 {
      "tpu.region"() ({
        %run_scoped3A = tpu.sem_alloc : memref<!tpu.dma_semaphore, #tpu.memory_space<semaphore_mem>>
        %dma_start3A_62 = tpu.memref_slice %arg5[%mul3A_2] : memref<100000xf32, #tpu.memory_space<hbm>> -> memref<3136xf32, #tpu.memory_space<hbm>>
        %dma_start3A_63 = tpu.memref_slice %arg5[%mul3A_2] : memref<100000xf32, #tpu.memory_space<hbm>> -> memref<3136xf32, #tpu.memory_space<hbm>>
        tpu.enqueue_dma source(%arg9 : memref<3136xf32, #tpu.memory_space<vmem>>) target(%dma_start3A_63 : memref<3136xf32, #tpu.memory_space<hbm>>) target_semaphore(%run_scoped3A : memref<!tpu.dma_semaphore, #tpu.memory_space<semaphore_mem>>)
        %dma_wait3A_64 = tpu.memref_slice %arg5[%mul3A_2] : memref<100000xf32, #tpu.memory_space<hbm>> -> memref<3136xf32, #tpu.memory_space<hbm>>
        %dma_wait3A_65 = tpu.memref_slice %arg5[%mul3A_2] : memref<100000xf32, #tpu.memory_space<hbm>> -> memref<3136xf32, #tpu.memory_space<hbm>>
        tpu.wait_dma2 semaphore(%run_scoped3A : memref<!tpu.dma_semaphore, #tpu.memory_space<semaphore_mem>>) src(%arg9 : memref<3136xf32, #tpu.memory_space<vmem>>) dst(%dma_wait3A_65 : memref<3136xf32, #tpu.memory_space<hbm>>)
        tpu.yield
      }) : () -> ()
    } else {
    }
    %convert_element_type3A_59 = arith.extui %eq3A_3 : i1 to i32
    %cond3A_60 = arith.constant 0 : i32
    %cond3A_61 = arith.cmpi ne, %convert_element_type3A_59, %cond3A_60 : i32
    scf.if %cond3A_61 {
      "tpu.region"() ({
        %run_scoped3A = tpu.sem_alloc : memref<!tpu.dma_semaphore, #tpu.memory_space<semaphore_mem>>
        %dma_start3A_62 = arith.constant 0 : i32
        %dma_start3A_63 = tpu.memref_slice %arg9[%dma_start3A_62] : memref<3136xf32, #tpu.memory_space<vmem>> -> memref<2784xf32, #tpu.memory_space<vmem>>
        %dma_start3A_64 = tpu.memref_slice %arg5[%mul3A_2] : memref<100000xf32, #tpu.memory_space<hbm>> -> memref<2784xf32, #tpu.memory_space<hbm>>
        %dma_start3A_65 = tpu.memref_slice %arg5[%mul3A_2] : memref<100000xf32, #tpu.memory_space<hbm>> -> memref<2784xf32, #tpu.memory_space<hbm>>
        %dma_start3A_66 = arith.constant 0 : i32
        %dma_start3A_67 = tpu.memref_slice %arg9[%dma_start3A_66] : memref<3136xf32, #tpu.memory_space<vmem>> -> memref<2784xf32, #tpu.memory_space<vmem>>
        tpu.enqueue_dma source(%dma_start3A_67 : memref<2784xf32, #tpu.memory_space<vmem>>) target(%dma_start3A_65 : memref<2784xf32, #tpu.memory_space<hbm>>) target_semaphore(%run_scoped3A : memref<!tpu.dma_semaphore, #tpu.memory_space<semaphore_mem>>)
        %dma_wait3A_68 = arith.constant 0 : i32
        %dma_wait3A_69 = tpu.memref_slice %arg9[%dma_wait3A_68] : memref<3136xf32, #tpu.memory_space<vmem>> -> memref<2784xf32, #tpu.memory_space<vmem>>
        %dma_wait3A_70 = tpu.memref_slice %arg5[%mul3A_2] : memref<100000xf32, #tpu.memory_space<hbm>> -> memref<2784xf32, #tpu.memory_space<hbm>>
        %dma_wait3A_71 = tpu.memref_slice %arg5[%mul3A_2] : memref<100000xf32, #tpu.memory_space<hbm>> -> memref<2784xf32, #tpu.memory_space<hbm>>
        %dma_wait3A_72 = arith.constant 0 : i32
        %dma_wait3A_73 = tpu.memref_slice %arg9[%dma_wait3A_72] : memref<3136xf32, #tpu.memory_space<vmem>> -> memref<2784xf32, #tpu.memory_space<vmem>>
        tpu.wait_dma2 semaphore(%run_scoped3A : memref<!tpu.dma_semaphore, #tpu.memory_space<semaphore_mem>>) src(%dma_wait3A_73 : memref<2784xf32, #tpu.memory_space<vmem>>) dst(%dma_wait3A_71 : memref<2784xf32, #tpu.memory_space<hbm>>)
        tpu.yield
      }) : () -> ()
    } else {
    }
    return
  }
}

</mosaic_0001>

<sc_bundles>
// kernel: _sc_call.3.cloned.1.call-start
scs
__scs_entry_jumppad:
0x0: {  	(pc) =	sbr.rel $0x88, $3  }
0x1: {  	(tag) =	ssettag $0x0;
	lr =	simm.s32 $0x1  }
0x2: {  	[smem:$0x3F9E] =	sst lr;
	_ =	strace $0xD0000000  }
0x3: {  	_ = 	snop  }
0x4: {  	_ = 	snop  }
0x5: {  	_ = 	snop  }
0x6: {  	_ = 	snop  }
0x7: {  	_ = 	snop  }
__scs_overlays_trampoline_lowered:
0x8: {  	[smem:$0x3FAD] =	sst s0  }
0x9: {  	[smem:$0x3FAE] =	sst s1  }
0xa: {  	[smem:$0x3FAF] =	sst s2  }
0xb: {  	[smem:$0x3FB0] =	sst s3  }
0xc: {  	[smem:$0x3FB1] =	sst s4  }
0xd: {  	[smem:$0x3FB2] =	sst s5  }
0xe: {  	[smem:$0x3FB3] =	sst s6  }
0xf: {  	[smem:$0x3FB4] =	sst s7  }
0x10: {  	[smem:$0x3FB5] =	sst s8  }
0x11: {  	[smem:$0x3FB6] =	sst s9;
	s0 =	simm.s32 @!p0 $0x0  }
0x12: {  	s1 =	sld [smem:$0x3F9C];
	s0 =	simm.s32 @p0 $0x1  }
0x13: {  	[smem:$0x3FB7] =	sst s0;
	s0 =	simm.s32 @!p1 $0x0  }
0x14: {  	s2 =	sld [smem:$0x3F9B];
	s0 =	simm.s32 @p1 $0x1  }
0x15: {  	[smem:$0x3FB8] =	sst s0;
	s0 =	simm.s32 @!p2 $0x0  }
0x16: {  	s3 =	sld [smem:$0x3FDB];
	s0 =	simm.s32 @p2 $0x1  }
0x17: {  	s4 =	simm.s32 $0x1BF5;
	[smem:$0x3FBA] =	sst s0  }
0x18: {  	s0 =	sld [smem:$0x3F9D];
	_ =	swait.ge [sflag:s4], $0x0  }
0x19: {  	s7 =	sld [smem:$0x3F9E]  }
0x1a: {  	s8 =	sadd.s32 $0xFFFFE003, lr  }
0x1b: {  	s9 =	sadd.s32 $0xFFFFFEF7, lr;
	s5 =	simm.s32 $0xFFFFFFFF;
	p2 =	slt.u32 s8, $0xFFFFF086  }
0x1c: {  	p1 =	slt.u32 s9, $0xF7A;
	s5 =	simm.s32 @!p2 $0x0  }
0x1d: {  	s5 =	simm.s32 @p1 $0x1;
	p0 =	seq.s32 s7, s2  }
0x1e: {  	s7 =	smul.u32 @!p0 $0xF7A, s2;
	p2 =	seq.s32 @!p0 s5, $0x0  }
0x1f: {  	s9 =	smul.u32 $0xF7A, s1;
	s8 =	simm.s32 @!p0 $0x1BF5;
	p2 =	por !p2, p0  }
0x20: {  	[sflag:s8] =	ssyncset.s32 @!p0 $0xFFFFF086;
	s6 =	sadd.s32 @!p0 s3, s7;
	s7 =	simm.s32 @!p0 $0x108  }
0x21: {  	s3 =	sadd.s32 s3, s9;
	s6 =	sadd.s32 @!p0 $0x88, s6;
	s7 =	simm.s32 @p2 $0x1082  }
0x22: {  	[simem:s7], [sflag:s8] =	dma.local @!p0 [hbm:s6], $0xF7A  }
0x23: {  	s9 =	sor.u32 $0xD0000000, s2;
	s6 =	simm.s32 $0x108;
	_ =	swait.ge @!p0 [sflag:s8], $0x0  }
0x24: {  	s3 =	sadd.s32 $0x88, s3;
	s6 =	simm.s32 @!p1 $0x1082;
	[sflag:s4] =	ssyncset.s32 $0xFFFFF086  }
0x25: {  	[simem:s6], [sflag:s4] =	dma.local [hbm:s3], $0xF7A  }
0x26: {  	[smem:$0x3F9E] =	sst s1;
	(tag) =	ssettag s2;
	_ =	strace s9  }
0x27: {  	s1 =	sld [smem:$0x3FAE]  }
0x28: {  	s2 =	sld [smem:$0x3FAF]  }
0x29: {  	s4 =	sld [smem:$0x3FB1]  }
0x2a: {  	p0 =	seq.s32 s5, $0x0;
	s5 =	sld [smem:$0x3FB2]  }
0x2b: {  	s6 =	sld [smem:$0x3FB3]  }
0x2c: {  	s7 =	sld [smem:$0x3FB4]  }
0x2d: {  	s3 =	simm.s32 $0x108;
	s8 =	sld [smem:$0x3FB5]  }
0x2e: {  	s3 =	simm.s32 @!p0 $0x1082;
	s9 =	sld [smem:$0x3FB6]  }
0x2f: {  	lr =	sadd.s32 s0, s3;
	s0 =	sld [smem:$0x3FAD]  }
0x30: {  	s3 =	sld [smem:$0x3FB0]  }
0x31: {  	[smem:$0x3FB9] =	sst s10  }
0x32: {  	s10 =	sld [smem:$0x3FB7];
	_ =	sdelay $0x3  }
0x33: {  	p0 =	seq.s32 s10, $0x1;
	s10 =	sld [smem:$0x3FB9];
	_ =	sdelay $0x3  }
0x34: {  	[smem:$0x3FB9] =	sst s10  }
0x35: {  	s10 =	sld [smem:$0x3FB8];
	_ =	sdelay $0x3  }
0x36: {  	p1 =	seq.s32 s10, $0x1;
	s10 =	sld [smem:$0x3FB9];
	_ =	sdelay $0x3  }
0x37: {  	[smem:$0x3FB9] =	sst s10  }
0x38: {  	s10 =	sld [smem:$0x3FBA]  }
0x39: {  	_ = 	snop;
	(pc) =	sbr.ind lr, $3  }
0x3a: {  	_ = 	snop  }
0x3b: {  	_ = 	snop  }
0x3c: {  	p2 =	seq.s32 s10, $0x1;
	s10 =	sld [smem:$0x3FB9]  }
0x3d: {  	_ =	shalt  }
0x3e: {  	_ =	shalt  }
0x3f: {  	_ =	shalt  }
0x40: {  	_ =	shalt  }
0x41: {  	_ =	shalt  }
0x42: {  	_ =	shalt  }
0x43: {  	_ =	shalt  }
0x44: {  	_ =	shalt  }
0x45: {  	_ =	shalt  }
0x46: {  	_ =	shalt  }
0x47: {  	_ =	shalt  }
0x48: {  	_ =	shalt  }
0x49: {  	_ =	shalt  }
0x4a: {  	_ =	shalt  }
0x4b: {  	_ =	shalt  }
0x4c: {  	_ =	shalt  }
0x4d: {  	_ =	shalt  }
0x4e: {  	_ =	shalt  }
0x4f: {  	_ =	shalt  }
0x50: {  	_ =	shalt  }
0x51: {  	_ =	shalt  }
0x52: {  	_ =	shalt  }
0x53: {  	_ =	shalt  }
0x54: {  	_ =	shalt  }
0x55: {  	_ =	shalt  }
0x56: {  	_ =	shalt  }
0x57: {  	_ =	shalt  }
0x58: {  	_ =	shalt  }
0x59: {  	_ =	shalt  }
0x5a: {  	_ =	shalt  }
0x5b: {  	_ =	shalt  }
0x5c: {  	_ =	shalt  }
0x5d: {  	_ =	shalt  }
0x5e: {  	_ =	shalt  }
0x5f: {  	_ =	shalt  }
0x60: {  	_ =	shalt  }
0x61: {  	_ =	shalt  }
0x62: {  	_ =	shalt  }
0x63: {  	_ =	shalt  }
0x64: {  	_ =	shalt  }
0x65: {  	_ =	shalt  }
0x66: {  	_ =	shalt  }
0x67: {  	_ =	shalt  }
0x68: {  	_ =	shalt  }
0x69: {  	_ =	shalt  }
0x6a: {  	_ =	shalt  }
0x6b: {  	_ =	shalt  }
0x6c: {  	_ =	shalt  }
0x6d: {  	_ =	shalt  }
0x6e: {  	_ =	shalt  }
0x6f: {  	_ =	shalt  }
0x70: {  	_ =	shalt  }
0x71: {  	_ =	shalt  }
0x72: {  	_ =	shalt  }
0x73: {  	_ =	shalt  }
0x74: {  	_ =	shalt  }
0x75: {  	_ =	shalt  }
0x76: {  	_ =	shalt  }
0x77: {  	_ =	shalt  }
0x78: {  	_ =	shalt  }
0x79: {  	_ =	shalt  }
0x7a: {  	_ =	shalt  }
0x7b: {  	_ =	shalt  }
0x7c: {  	_ =	shalt  }
0x7d: {  	_ =	shalt  }
0x7e: {  	_ =	shalt  }
0x7f: {  	_ =	shalt  }
0x80: {  	_ =	shalt  }
0x81: {  	_ =	shalt  }
0x82: {  	_ =	shalt  }
0x83: {  	_ =	shalt  }
0x84: {  	_ =	shalt  }
0x85: {  	_ =	shalt  }
0x86: {  	_ =	shalt  }
0x87: {  	_ =	shalt  }
.Lfunc_end0:
.L_simem_size_0:
called_computation_lowered:
.L_overlay_start_0:
0x88: {  	s2 =	sld [smem:$0x3FD9]  }
0x89: {  	s3 =	sld [smem:$0x3FFE];
	_ =	sdelay $0x1  }
0x8a: {  	s1 =	srdreg.scid  }
0x8b: {  	s0 =	sand.u32 $0x1, s1  }
0x8c: {  	s15 =	sshll.u32 s0, $0xA;
	s2 =	sadd.s32 s3, s2  }
0x8d: {  	s2 =	sadd.s32 s2, s15  }
0x8e: {  	[smem:$0x3FC5] =	sst s2  }
0x8f: {  	_ = 	snop  }
0x90: {  	s2 =	sld [smem:$0x3FD0]  }
0x91: {  	s16 =	sld [smem:$0x3FC9]  }
0x92: {  	s4 =	sld [smem:$0x3FC8]  }
0x93: {  	s6 =	simm.s32 $0xA;
	s7 =	simm.s32 $0x10;
	s5 =	sld [smem:$0x3FC7]  }
0x94: {  	[smem:s7], [sflag:s6] =	dma.local [hbm:s2], $0x1  }
0x95: {  	_ =	swait.eq [sflag:s6], $0x1  }
0x96: {  	[sflag:s6] =	ssyncset.done $0x0  }
0x97: {  	s17 =	sld [smem:$0x10];
	[sflag:s6] =	ssyncadd.s32 $0xFFFFFFFF  }
0x98: {  	s18 =	sld [smem:$0x11];
	(tm) =	ssettm $0x1  }
0x99: {  	s19 =	sld [smem:$0x3FFB];
	_ =	sdelay $0x3  }
0x9a: {  	_ =	strace s19  }
0x9b: {  	s7 =	sld [smem:$0x3FFC];
	_ =	sdelay $0x3  }
0x9c: {  	_ =	strace s7  }
0x9d: {  	s7 =	sld [smem:$0x3FFD];
	_ =	sdelay $0x3  }
0x9e: {  	_ =	strace s7  }
0x9f: {  	_ =	strace $0x8FFFFFFF  }
0xa0: {  	s20 =	sld [smem:$0x3FDB];
	_ =	sdelay $0x1  }
0xa1: {  	s8 =	simm.s32 $_scs_section_size  }
0xa2: {  	s9 =	simm.s32 $_size__tile_overlayer_lowered;
	s10 =	simm.s32 $_tile_overlayer_lowered  }
0xa3: {  	s23 =	simm.s32 $0x1BFF;
	s22 =	sshll.u32 s10, $0x1;
	s7 =	sadd.s32 s8, s20  }
0xa4: {  	s11 =	simm.s32 $0x0;
	s21 =	sshll.u32 s9, $0x1;
	s9 =	sadd.s32 s22, s7  }
0xa5: {  	[timem:s11], [sflag:s23] =	dma.local [hbm:s9], s21  }
0xa6: {  	_ =	swait.ge [sflag:s23], s21  }
0xa7: {  	s8 =	ssub.s32 $0x0, s21;
	[sflag:s23] =	ssyncset.done $0x0  }
0xa8: {  	[sflag:s23] =	ssyncadd.s32 s8;
	_ =	sdelay $0x1  }
0xa9: {  	s24 =	simm.s32 $0x1B8B  }
0xaa: {  	_ =	swait.ge [sflag:s24], $0x1  }
0xab: {  	[sflag:s24] =	ssyncset.done $0x0  }
0xac: {  	s25 =	simm.s32 $0x1B8E;
	[sflag:s24] =	ssyncadd.s32 $0xFFFFFFFF  }
0xad: {  	s26 =	simm.s32 $execute0_lowered;
	[smem:$0x3FD2] =	sst s25  }
0xae: {  	s8 =	sshll.u32 s26, $0x1;
	_ =	strace $0x80000046;
	[dreg:$0x1] =	wrdreg $0xFFFFFFFF  }
0xaf: {  	s28 =	simm.s32 $_size_execute0_lowered;
	s7 =	sadd.s32 s7, s8;
	[dreg:$0x0] =	wrdreg $0x0  }
0xb0: {  	s8 =	sshll.u32 s28, $0x1;
	[dreg:$0x2] =	wrdreg s7  }
0xb1: {  	[dreg:$0x3] =	wrdreg s8  }
0xb2: {  	[dreg:$0x4] =	wrdreg $0xC0  }
0xb3: {  	_ =	task [dreg:s11], $0x5FFFF  }
0xb4: {  	[dreg:$0x1] =	wrdreg $0xFFFFFFFF  }
0xb5: {  	[dreg:$0x0] =	wrdreg $0x60  }
0xb6: {  	[dreg:$0x2] =	wrdreg s16  }
0xb7: {  	[dreg:$0x3] =	wrdreg s4  }
0xb8: {  	[dreg:$0x4] =	wrdreg s5  }
0xb9: {  	[dreg:$0x5] =	wrdreg s17  }
0xba: {  	[dreg:$0x6] =	wrdreg s18  }
0xbb: {  	[dreg:$0x7] =	wrdreg $0x9  }
0xbc: {  	_ =	task.clear_ibuf [dreg:s11], $0x8FFFF;
	_ =	strace $0x90000046  }
0xbd: {  	s29 =	simm.s32 $0x9;
	_ =	strace $0x80000048  }
0xbe: {  	_ =	swait.ge [sflag:s29], $0x1  }
0xbf: {  	[sflag:s29] =	ssyncadd.s32 $0xFFFFFFFF  }
0xc0: {  	_ =	strace $0x90000048  }
0xc1: {  	_ =	sfence  }
0xc2: {  	s30 =	sld [smem:$0x0];
	_ =	sdelay $0x2  }
0xc3: {  	s31 =	sshll.u32 s1, $0xD;
	s1 =	sshrl.u32 s1, $0x2  }
0xc4: {  	s3 =	sand.u32 $0x4000, s31;
	s1 =	sadd.s32 s1, s30  }
0xc5: {  	s0 =	sor.u32 s3, s0;
	s1 =	sshll.u32 s1, $0x11  }
0xc6: {  	s0 =	sor.u32 s1, s0  }
0xc7: {  	s0 =	sadd.s32 $0x8F2B, s0  }
0xc8: {  	[sflag:s0] =	ssyncadd.remote.s32 $0x1  }
0xc9: {  	_ =	sfence.sel $0xFFFF  }
0xca: {  	[dreg:$0x0] =	wrdreg $0xFFFFFFFF;
	(pc) =	sbr.abs _section_cstart, $3  }
0xcb: {  	[dreg:$0x1] =	wrdreg $0xFFFFFFFF  }
0xcc: {  	_ =	task.clear_ibuf [dreg:s11], $0x2FFFF;
	_ =	strace $0x9FFFFFFF  }
0xcd: {  	(tm) =	ssettm $0x7FFFFFFF  }
tec
execute0_lowered:
.L_overlay_start_1:
0x0: {  	(tag) =	ssettag $0x1  }
0x1: {  	s8 =	rddreg [dreg:$0x0]  }
0x2: {  	s9 =	rddreg [dreg:$0x1]  }
0x3: {  	s1 =	rddreg [dreg:$0x2]  }
0x4: {  	s2 =	srdreg.scid;
	s11 =	rddreg [dreg:$0x3]  }
0x5: {  	s0 =	stileid.u32;
	s10 =	rddreg [dreg:$0x4];
	s3 =	simm.s32 $0x0  }
0x6: {  	s16 =	simm.s32 $0x2600;
	s17 =	simm.s32 $0x2A00;
	s18 =	simm.s32 $0x3  }
0x7: {  	s4 =	sand.u32 $0x1, s2;
	s31 =	sshll.u32 s0, $0x1;
	s2 =	rddreg [dreg:$0x5]  }
0x8: {  	s19 =	simm.s32 $0x0;
	[smem:$0x7FF] =	sst s3;
	s13 =	sor.u32 s4, s31  }
0x9: {  	s4 =	ssub.s32 $0x2, s4;
	_ =	strace $0x80000047;
	s5 =	smul.u32 $0xC40, s13  }
0xa: {  	s6 =	sshrl.u32 s4, $0x1;
	s15 =	sshll.u32 s13, $0x4;
	p0 =	seq.s32 s13, $0x1F  }
0xb: {  	s13 =	simm.s32 $0x2580;
	s14 =	ssub.s32 s4, s6;
	s12 =	sshrl.u32 s5, $0x3  }
0xc: {  	s10 =	sadd.s32 s10, s15;
	s15 =	simm.s32 $0x1;
	s7 =	sadd.s32 $0xC4, s12  }
0xd: {  	s4 =	sadd.s32 s8, s12;
	s5 =	sadd.s32 s9, s12;
	s11 =	sadd.s32 s11, s12  }
0xe: {  	v1 =	vlaneseq.u32;
	s12 =	smax.u32 s14, $0x1;
	s14 =	simm.s32 $0xC80;
	s6 =	sadd.s32 s8, s7  }
0xf: {  	v0 =	vimm.f32 $0.0e+00;
	v1 =	vmul.u32 $0x40, v1;
	s7 =	sadd.s32 s9, s7;
	s8 =	sadd.s32 $0x303C, s8;
	s9 =	sadd.s32 $0x303C, s9  }
.LBB2_1:
0x10: {  	[tilespmem:s13], [sflag:$0x1] =	stream.linear.gather [hbm4b:s1+s3], $0x80, $0x38;
	[tilespmem:$0x2A80] =	vst v63  }
0x11: {  	_ = 	snop  }
0x12: {  	[tilespmem:s3], [sflag:$0x1] =	stream.linear.gather [hbm4b:s4+s3], $0x620, $0x38;
	[tilespmem:$0x2A80] =	vst v63  }
0x13: {  	_ = 	snop  }
0x14: {  	[tilespmem:s14], [sflag:$0x1] =	stream.linear.gather [hbm4b:s5+s3], $0x620, $0x38;
	[tilespmem:$0x2A80] =	vst v63  }
0x15: {  	s20 =	simm.s32 @p0 $0x0;
	s21 =	simm.s32 @p0 $0x620  }
0x16: {  	[tilespmem:s21], [sflag:$0x2] =	stream.linear.gather @p0 [hbm4b:s8+s20], $0x4C0, $0x38;
	[tilespmem:$0x2A80] =	vst v63  }
0x17: {  	s21 =	simm.s32 @p0 $0x12A0  }
0x18: {  	[tilespmem:s21], [sflag:$0x2] =	stream.linear.gather @p0 [hbm4b:s9+s20], $0x4C0, $0x38;
	[tilespmem:$0x2A80] =	vst v63  }
0x19: {  	s20 =	simm.s32 @!p0 $0x0;
	s21 =	simm.s32 @!p0 $0x620  }
0x1a: {  	[tilespmem:s21], [sflag:$0x2] =	stream.linear.gather @!p0 [hbm4b:s6+s20], $0x620, $0x38;
	[tilespmem:$0x2A80] =	vst v63  }
0x1b: {  	s21 =	simm.s32 @!p0 $0x12A0  }
0x1c: {  	[tilespmem:s21], [sflag:$0x2] =	stream.linear.gather @!p0 [hbm4b:s7+s20], $0x620, $0x38;
	[tilespmem:$0x2A80] =	vst v63  }
0x1d: {  	s20 =	simm.s32 $0x2620  }
0x1e: {  	[tilespmem:s20+$0xFFFFFFE0] =	vst v0  }
0x1f: {  	[tilespmem:s20+$0x10] =	vst v0  }
0x20: {  	s21 =	simm.s32 $0x0;
	[tilespmem:s20+$0x0] =	vst v0  }
.LBB2_2:
0x21: {  	s21 =	sadd.s32 $0x4, s21  }
0x22: {  	[tilespmem:s20+$0xFFFFFFF0] =	vst v0;
	s20 =	sadd.s32 $0x40, s20;
	p1 =	slt.u32 s21, $0x3C  }
.Ltmp0:
0x23: {  	[tilespmem:s20+$0xFFFFFFE0] =	vst v0;
	(pc) =	sbr.rel @p1 .LBB2_2-.Ltmp0, $3  }
0x24: {  	_ =	sdelay $0x1  }
0x25: {  	[tilespmem:s20+$0x10] =	vst v0  }
0x26: {  	[tilespmem:s20+$0x0] =	vst v0  }
0x27: {  	[tilespmem:s20+$0xFFFFFFF0] =	vst v0  }
0x28: {  	_ =	swait.ge [sflag:s15], $0x80  }
0x29: {  	[sflag:s15] =	ssyncset.done $0x0  }
0x2a: {  	[sflag:s15] =	ssyncadd.s32 $0xFFFFFF80  }
0x2b: {  	_ =	swait.ge [sflag:s15], $0x620  }
0x2c: {  	[sflag:s15] =	ssyncset.done $0x0  }
0x2d: {  	[sflag:s15] =	ssyncadd.s32 $0xFFFFF9E0  }
0x2e: {  	_ =	swait.ge [sflag:s15], $0x620  }
0x2f: {  	[sflag:s15] =	ssyncset.done $0x0  }
0x30: {  	s21 =	simm.s32 $0xCC0;
	[sflag:s15] =	ssyncadd.s32 $0xFFFFF9E0  }
0x31: {  	v5 =	vld [tilespmem:s21+$0x30]  }
0x32: {  	v6 =	vld [tilespmem:s21+$0xFFFFFFD0]  }
0x33: {  	v7 =	vld [tilespmem:s21+$0xFFFFFFE0]  }
0x34: {  	v8 =	vld [tilespmem:s21+$0xFFFFFFC0]  }
0x35: {  	v9 =	vld [tilespmem:s21+$0x0]  }
0x36: {  	v17 =	vld [tilespmem:s21+$0x20];
	_ =	sdelay $0x1  }
0x37: {  	v2 =	vshrl.u32 v5, $0x10;
	v3 =	vshrl.u32 v6, $0x8;
	v12 =	vshrl.u32 v7, $0x8  }
0x38: {  	s20 =	simm.s32 $0x40;
	v18 =	vld [tilespmem:s21+$0x10];
	v15 =	vshrl.u32 v8, $0x8;
	v16 =	vand.u32 $0x7F, v6;
	v6 =	vshrl.u32 v6, $0x10  }
0x39: {  	v10 =	vld [tilespmem:s20+$0xFFFFFFE0];
	v19 =	vshrl.u32 v9, $0x8;
	v21 =	vand.u32 $0x7F, v8;
	v23 =	vand.u32 $0x7F, v9  }
0x3a: {  	v14 =	vld [tilespmem:s21+$0xFFFFFFF0];
	v9 =	vshrl.u32 v9, $0x10;
	v25 =	vand.u32 $0x7F, v17;
	v28 =	vshrl.u32 v17, $0x10  }
0x3b: {  	v13 =	vld [tilespmem:s20+$0xFFFFFFD0];
	v4 =	vand.u32 $0x3F, v3;
	v3 =	vand.u32 $0x3F, v12;
	v12 =	vand.u32 $0x7F, v7  }
0x3c: {  	v26 =	vld [tilespmem:s20+$0x30];
	v11 =	vand.u32 $0x1, v2;
	v2 =	vshrl.u32 v5, $0x8;
	v5 =	vand.u32 $0x7F, v5  }
0x3d: {  	v27 =	vld [tilespmem:s20+$0xFFFFFFC0];
	v29 =	vand.u32 $0x7F, v18;
	v17 =	vshrl.u32 v17, $0x8;
	v7 =	vshrl.u32 v7, $0x10  }
0x3e: {  	v20 =	vand.u32 $0x1, v6;
	v6 =	vshrl.u32 v8, $0x10;
	v8 =	vand.u32 $0x3F, v19;
	v16 =	vld.idx.msk [tilespmem:v16+s13+$0x0], $0xffff  }
0x3f: {  	v9 =	vand.u32 $0x1, v9;
	v19 =	vshrl.u32 v14, $0x10;
	v2 =	vand.u32 $0x3F, v2;
	v33 =	vld.idx.msk [tilespmem:v21+s13+$0x0], $0xffff  }
0x40: {  	v22 =	vand.u32 $0x1, v6;
	v6 =	vand.u32 $0x3F, v15;
	v15 =	vld.idx.msk [tilespmem:v12+s13+$0x0], $0xffff;
	v12 =	vand.u32 $0x7F, v14  }
0x41: {  	v31 =	vand.u32 $0x1, v19;
	v19 =	vshrl.u32 v18, $0x8;
	v18 =	vshrl.u32 v18, $0x10;
	v30 =	vld.idx.msk [tilespmem:v5+s13+$0x0], $0xffff  }
0x42: {  	v7 =	vand.u32 $0x1, v7;
	v32 =	vcvt.s32.f32 v20;
	v35 =	vand.u32 $0x1, v18;
	v34 =	vld.idx.msk [tilespmem:v23+s13+$0x0], $0xffff  }
0x43: {  	v18 =	vand.u32 $0x3F, v17;
	v17 =	vcvt.s32.f32 v31;
	v31 =	vld [tilespmem:s20+$0xFFFFFFF0];
	v21 =	vcvt.s32.f32 v22  }
0x44: {  	v19 =	vand.u32 $0x3F, v19;
	v20 =	vld.idx.msk [tilespmem:v25+s13+$0x0], $0xffff;
	v5 =	vcvt.s32.f32 v7;
	v7 =	vcvt.s32.f32 v11  }
0x45: {  	v22 =	vand.u32 $0x1, v28;
	v23 =	vcvt.s32.f32 v9;
	v11 =	vmul.f32 v32, v16;
	v24 =	vld.idx.msk [tilespmem:v12+s13+$0x0], $0xffff  }
0x46: {  	v28 =	vld.idx.msk [tilespmem:v29+s13+$0x0], $0xffff;
	v12 =	vshrl.u32 v14, $0x8;
	v9 =	vmul.f32 v5, v15;
	v14 =	vmul.f32 v7, v30  }
0x47: {  	v25 =	vld [tilespmem:s20+$0x10];
	v15 =	vmul.f32 v21, v33;
	v30 =	vmul.f32 v23, v34;
	v11 =	vadd.f32 v11, v13  }
0x48: {  	s22 =	simm.s32 $0x1940;
	v29 =	vld [tilespmem:s20+$0x0];
	v12 =	vand.u32 $0x3F, v12;
	v9 =	vadd.f32 v9, v10;
	v14 =	vadd.f32 v14, v26  }
0x49: {  	s23 =	simm.s32 $0x0;
	s24 =	simm.s32 $0xD40;
	s21 =	simm.s32 $0x1940;
	v13 =	vadd.f32 v15, v27;
	v27 =	vcvt.s32.f32 v35;
	v26 =	vld [tilespmem:s20+$0x20];
	[tilespmem:s22+$0xFFFFFFD0] =	vst v11;
	v10 =	vmul.f32 v32, v11  }
.LBB2_4:
0x4a: {  	v32 =	vld [tilespmem:s24+$0x30];
	s23 =	sadd.s32 $0x8, s23;
	v16 =	vmul.f32 v17, v24;
	s20 =	sadd.s32 $0x80, s20;
	s22 =	sadd.s32 $0x80, s22  }
0x4b: {  	v11 =	vld [tilespmem:s20+$0xFFFFFFE0];
	p1 =	slt.u32 s23, $0x58;
	[tilespmem:s21+$0xFFFFFFC0] =	vst v13;
	v21 =	vmul.f32 v21, v13;
	v24 =	vmul.f32 v27, v28  }
0x4c: {  	v8 =	vor.u32 v1, v8;
	v19 =	vor.u32 v1, v19;
	v15 =	vld [tilespmem:s20+$0xFFFFFFD0];
	v28 =	vadd.f32 v16, v31  }
0x4d: {  	v13 =	vld [tilespmem:s20+$0x30];
	v29 =	vadd.f32 v30, v29;
	v24 =	vadd.f32 v24, v25  }
0x4e: {  	v22 =	vcvt.s32.f32 v22;
	v16 =	vld [tilespmem:s20+$0xFFFFFFC0];
	[tilespmem:s21+$0xFFFFFFF0] =	vst v28  }
0x4f: {  	v25 =	vld [tilespmem:s24+$0xFFFFFFD0];
	v30 =	vshrl.u32 v32, $0x10;
	v23 =	vmul.f32 v23, v29;
	[tilespmem:s21+$0x10] =	vst v24;
	v24 =	vmul.f32 v27, v24  }
0x50: {  	v6 =	vor.u32 v1, v6;
	v20 =	vmul.f32 v22, v20;
	v27 =	vld [tilespmem:s24+$0xFFFFFFE0];
	v30 =	vand.u32 $0x1, v30;
	[tilespmem:s21+$0x0] =	vst v29  }
0x51: {  	v29 =	vshrl.u32 v32, $0x8;
	[tilespmem:v8+s16+$0x0] =	vst.idx.add.f32.msk $0xffff, v23  }
0x52: {  	v18 =	vor.u32 v1, v18;
	v20 =	vadd.f32 v20, v26;
	v8 =	vand.u32 $0x3F, v29;
	v23 =	vld [tilespmem:s24+$0xFFFFFFC0]  }
0x53: {  	v26 =	vld [tilespmem:s24+$0x10]  }
0x54: {  	v17 =	vmul.f32 v17, v28;
	v29 =	vshrl.u32 v25, $0x8;
	v31 =	vld [tilespmem:s24+$0x0];
	[tilespmem:s21+$0x20] =	vst v20;
	v20 =	vmul.f32 v22, v20  }
0x55: {  	v22 =	vand.u32 $0x3F, v29;
	v28 =	vshrl.u32 v27, $0x8;
	[tilespmem:v6+s16+$0x0] =	vst.idx.add.f32.msk $0xffff, v21;
	v6 =	vor.u32 v1, v2;
	v2 =	vmovc v8  }
0x56: {  	v12 =	vor.u32 v1, v12;
	v8 =	vand.u32 $0x3F, v28;
	[tilespmem:v19+s16+$0x0] =	vst.idx.add.f32.msk $0xffff, v24  }
0x57: {  	v21 =	vor.u32 v1, v4;
	v24 =	vor.u32 v1, v3;
	v19 =	vshrl.u32 v23, $0x8;
	[tilespmem:v18+s16+$0x0] =	vst.idx.add.f32.msk $0xffff, v20  }
0x58: {  	v7 =	vmul.f32 v7, v14;
	v4 =	vmovc v22;
	v18 =	vand.u32 $0x7F, v27;
	v20 =	vshrl.u32 v27, $0x10;
	v3 =	vmovc v8;
	v27 =	vld [tilespmem:s24+$0xFFFFFFF0];
	[tilespmem:s21+$0xFFFFFFE0] =	vst v9  }
0x59: {  	v22 =	vand.u32 $0x7F, v25;
	v8 =	vshrl.u32 v25, $0x10;
	v25 =	vshrl.u32 v31, $0x8;
	v28 =	vld [tilespmem:s24+$0x20];
	[tilespmem:s21+$0x30] =	vst v14;
	s21 =	smov.u32 s22  }
0x5a: {  	v14 =	vand.u32 $0x1, v8;
	v8 =	vand.u32 $0x3F, v25;
	v25 =	vand.u32 $0x7F, v32;
	[tilespmem:v6+s16+$0x0] =	vst.idx.add.f32.msk $0xffff, v7  }
0x5b: {  	v5 =	vmul.f32 v5, v9;
	v7 =	vand.u32 $0x7F, v23;
	v6 =	vshrl.u32 v23, $0x10;
	[tilespmem:v12+s16+$0x0] =	vst.idx.add.f32.msk $0xffff, v17  }
0x5c: {  	v9 =	vand.u32 $0x1, v6;
	v12 =	vand.u32 $0x7F, v31;
	v17 =	vshrl.u32 v31, $0x10;
	[tilespmem:v21+s16+$0x0] =	vst.idx.add.f32.msk $0xffff, v10  }
0x5d: {  	v6 =	vand.u32 $0x3F, v19;
	v10 =	vand.u32 $0x1, v20;
	v23 =	vand.u32 $0x1, v17;
	[tilespmem:v24+s16+$0x0] =	vst.idx.add.f32.msk $0xffff, v5  }
0x5e: {  	v17 =	vand.u32 $0x7F, v27;
	v5 =	vshrl.u32 v27, $0x10;
	v29 =	vld.idx.msk [tilespmem:v18+s13+$0x0], $0xffff;
	v18 =	vshrl.u32 v28, $0x10  }
0x5f: {  	v32 =	vcvt.s32.f32 v14;
	v14 =	vand.u32 $0x1, v5;
	v20 =	vand.u32 $0x7F, v28;
	v31 =	vld.idx.msk [tilespmem:v22+s13+$0x0], $0xffff  }
0x60: {  	v33 =	vand.u32 $0x7F, v26;
	v19 =	vshrl.u32 v26, $0x8;
	v21 =	vshrl.u32 v26, $0x10;
	v26 =	vld.idx.msk [tilespmem:v25+s13+$0x0], $0xffff  }
0x61: {  	v19 =	vand.u32 $0x3F, v19;
	v35 =	vand.u32 $0x1, v21;
	v5 =	vcvt.s32.f32 v10;
	v34 =	vld.idx.msk [tilespmem:v7+s13+$0x0], $0xffff  }
0x62: {  	v21 =	vcvt.s32.f32 v9;
	v22 =	vand.u32 $0x1, v18;
	v7 =	vshrl.u32 v28, $0x8;
	v10 =	vld.idx.msk [tilespmem:v12+s13+$0x0], $0xffff  }
0x63: {  	v9 =	vshrl.u32 v27, $0x8;
	v18 =	vand.u32 $0x3F, v7;
	v24 =	vld.idx.msk [tilespmem:v17+s13+$0x0], $0xffff  }
0x64: {  	v12 =	vand.u32 $0x3F, v9;
	v7 =	vcvt.s32.f32 v30;
	v17 =	vcvt.s32.f32 v14;
	v20 =	vld.idx.msk [tilespmem:v20+s13+$0x0], $0xffff  }
.Ltmp1:
0x65: {  	v23 =	vcvt.s32.f32 v23;
	v9 =	vmul.f32 v32, v31;
	v28 =	vld.idx.msk [tilespmem:v33+s13+$0x0], $0xffff;
	(pc) =	sbr.rel @p1 .LBB2_4-.Ltmp1, $4  }
0x66: {  	v14 =	vmul.f32 v5, v29;
	v26 =	vmul.f32 v7, v26;
	v25 =	vld [tilespmem:s20+$0x10]  }
0x67: {  	v27 =	vmul.f32 v21, v34;
	v15 =	vadd.f32 v9, v15;
	v31 =	vld [tilespmem:s20+$0xFFFFFFF0]  }
0x68: {  	v9 =	vadd.f32 v14, v11;
	v30 =	vmul.f32 v23, v10;
	v14 =	vadd.f32 v26, v13;
	v29 =	vld [tilespmem:s20+$0x0]  }
0x69: {  	s25 =	simm.s32 $0x0;
	s24 =	sadd.s32 $0x80, s24;
	v13 =	vadd.f32 v27, v16;
	v10 =	vmul.f32 v32, v15;
	v27 =	vcvt.s32.f32 v35;
	[tilespmem:s22+$0xFFFFFFD0] =	vst v15;
	v26 =	vld [tilespmem:s20+$0x20]  }
0x6a: {  	v11 =	vmul.f32 v17, v24  }
0x6b: {  	[tilespmem:s21+$0xFFFFFFE0] =	vst v9;
	v15 =	vmul.f32 v27, v28  }
0x6c: {  	v6 =	vor.u32 v1, v6;
	[tilespmem:s21+$0x30] =	vst v14;
	v11 =	vadd.f32 v11, v31  }
0x6d: {  	v2 =	vor.u32 v1, v2;
	[tilespmem:s21+$0xFFFFFFC0] =	vst v13;
	v15 =	vadd.f32 v15, v25  }
0x6e: {  	v16 =	vcvt.s32.f32 v22;
	v4 =	vor.u32 v1, v4;
	v58 =	vadd.f32 v30, v29;
	[tilespmem:s21+$0xFFFFFFF0] =	vst v11  }
0x6f: {  	v59 =	vmul.f32 v21, v13;
	[tilespmem:s21+$0x10] =	vst v15  }
0x70: {  	v62 =	vor.u32 v1, v12;
	v7 =	vmul.f32 v7, v14;
	v20 =	vmul.f32 v16, v20;
	[tilespmem:s21+$0x0] =	vst v58  }
0x71: {  	v8 =	vor.u32 v1, v8;
	[tilespmem:v6+s16+$0x0] =	vst.idx.add.f32.msk $0xffff, v59  }
0x72: {  	v19 =	vor.u32 v1, v19;
	v20 =	vadd.f32 v20, v26;
	[tilespmem:v2+s16+$0x0] =	vst.idx.add.f32.msk $0xffff, v7  }
0x73: {  	v3 =	vor.u32 v1, v3;
	v63 =	vmul.f32 v17, v11;
	[tilespmem:v4+s16+$0x0] =	vst.idx.add.f32.msk $0xffff, v10  }
0x74: {  	v18 =	vor.u32 v1, v18;
	v23 =	vmul.f32 v23, v58;
	[tilespmem:s21+$0x20] =	vst v20  }
0x75: {  	v60 =	vmul.f32 v27, v15;
	[tilespmem:v62+s16+$0x0] =	vst.idx.add.f32.msk $0xffff, v63  }
0x76: {  	v2 =	vmul.f32 v5, v9;
	[tilespmem:v8+s16+$0x0] =	vst.idx.add.f32.msk $0xffff, v23  }
0x77: {  	v61 =	vmul.f32 v16, v20;
	[tilespmem:v19+s16+$0x0] =	vst.idx.add.f32.msk $0xffff, v60  }
0x78: {  	[tilespmem:v3+s16+$0x0] =	vst.idx.add.f32.msk $0xffff, v2  }
0x79: {  	[tilespmem:v18+s16+$0x0] =	vst.idx.add.f32.msk $0xffff, v61  }
.LBB2_6:
0x7a: {  	s20 =	sshra.s32 s25, $0x2  }
0x7b: {  	v2 =	vld [tilespmem:s20+$0x1280];
	_ =	sdelay $0x4  }
0x7c: {  	v3 =	vand.u32 $0x7F, v2;
	_ =	sdelay $0x4  }
0x7d: {  	v3 =	vld.idx.msk [tilespmem:v3+s13+$0x0], $0xffff  }
0x7e: {  	v4 =	vshrl.u32 v2, $0x10  }
0x7f: {  	v5 =	vld [tilespmem:s20+$0x600];
	v4 =	vand.u32 $0x1, v4  }
0x80: {  	v4 =	vcvt.s32.f32 v4  }
0x81: {  	v2 =	vshrl.u32 v2, $0x8  }
0x82: {  	v2 =	vand.u32 $0x3F, v2;
	v3 =	vmul.f32 v4, v3  }
0x83: {  	p1 =	sne.s32 s25, $0x40;
	v2 =	vor.u32 v1, v2  }
.Ltmp2:
0x84: {  	v3 =	vadd.f32 v3, v5;
	(pc) =	sbr.rel @p1 .LBB2_6-.Ltmp2, $4  }
0x85: {  	_ = 	snop  }
0x86: {  	v4 =	vmul.f32 v4, v3  }
0x87: {  	[tilespmem:s20+$0x1F00] =	vst v3  }
0x88: {  	s25 =	sadd.s32 $0x40, s25;
	[tilespmem:v2+s16+$0x0] =	vst.idx.add.f32.msk $0xffff, v4  }
0x89: {  	s20 =	simm.s32 @p0 $0x2  }
0x8a: {  	_ =	swait.ge @p0 [sflag:s20], $0x4C0  }
0x8b: {  	[sflag:s20] =	ssyncset.done @p0 $0x0  }
0x8c: {  	[sflag:s20] =	ssyncadd.s32 @p0 $0xFFFFFB40  }
0x8d: {  	_ =	swait.ge @p0 [sflag:s20], $0x4C0  }
0x8e: {  	[sflag:s20] =	ssyncset.done @p0 $0x0  }
0x8f: {  	s21 =	simm.s32 @!p0 $0x2;
	[sflag:s20] =	ssyncadd.s32 @p0 $0xFFFFFB40  }
0x90: {  	_ =	swait.ge @!p0 [sflag:s21], $0x620  }
0x91: {  	[sflag:s21] =	ssyncset.done @!p0 $0x0  }
0x92: {  	[sflag:s21] =	ssyncadd.s32 @!p0 $0xFFFFF9E0  }
0x93: {  	_ =	swait.ge @!p0 [sflag:s21], $0x620  }
0x94: {  	[sflag:s21] =	ssyncset.done @!p0 $0x0  }
0x95: {  	s25 =	simm.s32 $0x1310;
	[sflag:s21] =	ssyncadd.s32 @!p0 $0xFFFFF9E0  }
0x96: {  	v5 =	vld [tilespmem:s25+$0x0]  }
0x97: {  	v6 =	vld [tilespmem:s25+$0xFFFFFFA0]  }
0x98: {  	v7 =	vld [tilespmem:s25+$0xFFFFFFB0]  }
0x99: {  	v8 =	vld [tilespmem:s25+$0xFFFFFF90]  }
0x9a: {  	v9 =	vld [tilespmem:s25+$0xFFFFFFD0]  }
0x9b: {  	v17 =	vld [tilespmem:s25+$0xFFFFFFF0];
	_ =	sdelay $0x1  }
0x9c: {  	v2 =	vshrl.u32 v5, $0x10;
	v3 =	vshrl.u32 v6, $0x8;
	v12 =	vshrl.u32 v7, $0x8  }
0x9d: {  	s24 =	simm.s32 $0x690;
	v18 =	vld [tilespmem:s25+$0xFFFFFFE0];
	v15 =	vshrl.u32 v8, $0x8;
	v16 =	vand.u32 $0x7F, v6;
	v6 =	vshrl.u32 v6, $0x10  }
0x9e: {  	v10 =	vld [tilespmem:s24+$0xFFFFFFB0];
	v19 =	vshrl.u32 v9, $0x8;
	v21 =	vand.u32 $0x7F, v8;
	v23 =	vand.u32 $0x7F, v9  }
0x9f: {  	v14 =	vld [tilespmem:s25+$0xFFFFFFC0];
	v9 =	vshrl.u32 v9, $0x10;
	v25 =	vand.u32 $0x7F, v17;
	v28 =	vshrl.u32 v17, $0x10  }
0xa0: {  	v13 =	vld [tilespmem:s24+$0xFFFFFFA0];
	v4 =	vand.u32 $0x3F, v3;
	v3 =	vand.u32 $0x3F, v12;
	v12 =	vand.u32 $0x7F, v7  }
0xa1: {  	v26 =	vld [tilespmem:s24+$0x0];
	v11 =	vand.u32 $0x1, v2;
	v2 =	vshrl.u32 v5, $0x8;
	v5 =	vand.u32 $0x7F, v5  }
0xa2: {  	v27 =	vld [tilespmem:s24+$0xFFFFFF90];
	v29 =	vand.u32 $0x7F, v18;
	v17 =	vshrl.u32 v17, $0x8;
	v7 =	vshrl.u32 v7, $0x10  }
0xa3: {  	v20 =	vand.u32 $0x1, v6;
	v6 =	vshrl.u32 v8, $0x10;
	v8 =	vand.u32 $0x3F, v19;
	v16 =	vld.idx.msk [tilespmem:v16+s13+$0x0], $0xffff  }
0xa4: {  	s20 =	simm.s32 @!p0 $0xC4;
	v9 =	vand.u32 $0x1, v9;
	v19 =	vshrl.u32 v14, $0x10;
	v2 =	vand.u32 $0x3F, v2;
	v33 =	vld.idx.msk [tilespmem:v21+s13+$0x0], $0xffff  }
0xa5: {  	s20 =	simm.s32 @p0 $0xAE;
	v22 =	vand.u32 $0x1, v6;
	v6 =	vand.u32 $0x3F, v15;
	v15 =	vld.idx.msk [tilespmem:v12+s13+$0x0], $0xffff;
	v12 =	vand.u32 $0x7F, v14  }
0xa6: {  	s22 =	sadd.s32 $0x9E, s20;
	v31 =	vand.u32 $0x1, v19;
	v19 =	vshrl.u32 v18, $0x8;
	v18 =	vshrl.u32 v18, $0x10;
	v30 =	vld.idx.msk [tilespmem:v5+s13+$0x0], $0xffff  }
0xa7: {  	s23 =	sand.u32 $0xE8, s22;
	v7 =	vand.u32 $0x1, v7;
	v32 =	vcvt.s32.f32 v20;
	v35 =	vand.u32 $0x1, v18;
	v34 =	vld.idx.msk [tilespmem:v23+s13+$0x0], $0xffff  }
0xa8: {  	s21 =	sadd.s32 $0x62, s23;
	v18 =	vand.u32 $0x3F, v17;
	v17 =	vcvt.s32.f32 v31;
	v31 =	vld [tilespmem:s24+$0xFFFFFFC0];
	v21 =	vcvt.s32.f32 v22  }
0xa9: {  	p1 =	sgt.u32 s21, $0x6A;
	v19 =	vand.u32 $0x3F, v19;
	v20 =	vld.idx.msk [tilespmem:v25+s13+$0x0], $0xffff;
	v5 =	vcvt.s32.f32 v7;
	v7 =	vcvt.s32.f32 v11  }
.Ltmp3:
0xaa: {  	v22 =	vand.u32 $0x1, v28;
	v23 =	vcvt.s32.f32 v9;
	v11 =	vmul.f32 v32, v16;
	v24 =	vld.idx.msk [tilespmem:v12+s13+$0x0], $0xffff;
	(pc) =	sbr.rel @!p1 .LBB2_9-.Ltmp3, $4  }
0xab: {  	v28 =	vld.idx.msk [tilespmem:v29+s13+$0x0], $0xffff;
	v12 =	vshrl.u32 v14, $0x8;
	v9 =	vmul.f32 v5, v15;
	v14 =	vmul.f32 v7, v30  }
0xac: {  	v25 =	vld [tilespmem:s24+$0xFFFFFFE0];
	v15 =	vmul.f32 v21, v33;
	v30 =	vmul.f32 v23, v34;
	v11 =	vadd.f32 v11, v13  }
0xad: {  	s23 =	simm.s32 $0x1F90;
	v29 =	vld [tilespmem:s24+$0xFFFFFFD0];
	v12 =	vand.u32 $0x3F, v12;
	v9 =	vadd.f32 v9, v10;
	v13 =	vadd.f32 v14, v26  }
0xae: {  	s26 =	simm.s32 $0x1390;
	s28 =	simm.s32 $0x1F90;
	s25 =	simm.s32 $0x6A;
	v14 =	vadd.f32 v15, v27;
	v27 =	vcvt.s32.f32 v35;
	v26 =	vld [tilespmem:s24+$0xFFFFFFF0];
	[tilespmem:s23+$0xFFFFFFA0] =	vst v11;
	v10 =	vmul.f32 v32, v11  }
.LBB2_8:
0xaf: {  	v32 =	vld [tilespmem:s26+$0x0];
	s25 =	sadd.s32 $0x8, s25;
	v16 =	vmul.f32 v17, v24;
	s24 =	sadd.s32 $0x80, s24;
	s28 =	sadd.s32 $0x80, s28  }
0xb0: {  	v11 =	vld [tilespmem:s24+$0xFFFFFFB0];
	p1 =	slt.u32 s25, s21;
	[tilespmem:s23+$0xFFFFFF90] =	vst v14;
	v21 =	vmul.f32 v21, v14;
	v24 =	vmul.f32 v27, v28  }
0xb1: {  	v8 =	vor.u32 v1, v8;
	v19 =	vor.u32 v1, v19;
	v15 =	vld [tilespmem:s24+$0xFFFFFFA0];
	v28 =	vadd.f32 v16, v31  }
0xb2: {  	v14 =	vld [tilespmem:s24+$0x0];
	v29 =	vadd.f32 v30, v29;
	v24 =	vadd.f32 v24, v25  }
0xb3: {  	v22 =	vcvt.s32.f32 v22;
	v16 =	vld [tilespmem:s24+$0xFFFFFF90];
	[tilespmem:s23+$0xFFFFFFC0] =	vst v28  }
0xb4: {  	v25 =	vld [tilespmem:s26+$0xFFFFFFA0];
	v30 =	vshrl.u32 v32, $0x10;
	v23 =	vmul.f32 v23, v29;
	[tilespmem:s23+$0xFFFFFFE0] =	vst v24;
	v24 =	vmul.f32 v27, v24  }
0xb5: {  	v6 =	vor.u32 v1, v6;
	v20 =	vmul.f32 v22, v20;
	v27 =	vld [tilespmem:s26+$0xFFFFFFB0];
	v30 =	vand.u32 $0x1, v30;
	[tilespmem:s23+$0xFFFFFFD0] =	vst v29  }
0xb6: {  	v29 =	vshrl.u32 v32, $0x8;
	[tilespmem:v8+s16+$0x0] =	vst.idx.add.f32.msk $0xffff, v23  }
0xb7: {  	v18 =	vor.u32 v1, v18;
	v20 =	vadd.f32 v20, v26;
	v8 =	vand.u32 $0x3F, v29;
	v23 =	vld [tilespmem:s26+$0xFFFFFF90]  }
0xb8: {  	v26 =	vld [tilespmem:s26+$0xFFFFFFE0]  }
0xb9: {  	v17 =	vmul.f32 v17, v28;
	v29 =	vshrl.u32 v25, $0x8;
	v31 =	vld [tilespmem:s26+$0xFFFFFFD0];
	[tilespmem:s23+$0xFFFFFFF0] =	vst v20;
	v20 =	vmul.f32 v22, v20  }
0xba: {  	v22 =	vand.u32 $0x3F, v29;
	v28 =	vshrl.u32 v27, $0x8;
	[tilespmem:v6+s16+$0x0] =	vst.idx.add.f32.msk $0xffff, v21;
	v6 =	vor.u32 v1, v2;
	v2 =	vmovc v8  }
0xbb: {  	v12 =	vor.u32 v1, v12;
	v8 =	vand.u32 $0x3F, v28;
	[tilespmem:v19+s16+$0x0] =	vst.idx.add.f32.msk $0xffff, v24  }
0xbc: {  	v21 =	vor.u32 v1, v4;
	v24 =	vor.u32 v1, v3;
	v19 =	vshrl.u32 v23, $0x8;
	[tilespmem:v18+s16+$0x0] =	vst.idx.add.f32.msk $0xffff, v20  }
0xbd: {  	v7 =	vmul.f32 v7, v13;
	v4 =	vmovc v22;
	v18 =	vand.u32 $0x7F, v27;
	v20 =	vshrl.u32 v27, $0x10;
	v3 =	vmovc v8;
	v27 =	vld [tilespmem:s26+$0xFFFFFFC0];
	[tilespmem:s23+$0xFFFFFFB0] =	vst v9  }
0xbe: {  	v22 =	vand.u32 $0x7F, v25;
	v8 =	vshrl.u32 v25, $0x10;
	v25 =	vshrl.u32 v31, $0x8;
	v28 =	vld [tilespmem:s26+$0xFFFFFFF0];
	[tilespmem:s23+$0x0] =	vst v13;
	s23 =	smov.u32 s28  }
0xbf: {  	v13 =	vand.u32 $0x1, v8;
	v8 =	vand.u32 $0x3F, v25;
	v25 =	vand.u32 $0x7F, v32;
	[tilespmem:v6+s16+$0x0] =	vst.idx.add.f32.msk $0xffff, v7  }
0xc0: {  	v5 =	vmul.f32 v5, v9;
	v7 =	vand.u32 $0x7F, v23;
	v6 =	vshrl.u32 v23, $0x10;
	[tilespmem:v12+s16+$0x0] =	vst.idx.add.f32.msk $0xffff, v17  }
0xc1: {  	v9 =	vand.u32 $0x1, v6;
	v12 =	vand.u32 $0x7F, v31;
	v17 =	vshrl.u32 v31, $0x10;
	[tilespmem:v21+s16+$0x0] =	vst.idx.add.f32.msk $0xffff, v10  }
0xc2: {  	v6 =	vand.u32 $0x3F, v19;
	v10 =	vand.u32 $0x1, v20;
	v23 =	vand.u32 $0x1, v17;
	[tilespmem:v24+s16+$0x0] =	vst.idx.add.f32.msk $0xffff, v5  }
0xc3: {  	v17 =	vand.u32 $0x7F, v27;
	v5 =	vshrl.u32 v27, $0x10;
	v29 =	vld.idx.msk [tilespmem:v18+s13+$0x0], $0xffff;
	v18 =	vshrl.u32 v28, $0x10  }
0xc4: {  	v32 =	vcvt.s32.f32 v13;
	v13 =	vand.u32 $0x1, v5;
	v20 =	vand.u32 $0x7F, v28;
	v31 =	vld.idx.msk [tilespmem:v22+s13+$0x0], $0xffff  }
0xc5: {  	v33 =	vand.u32 $0x7F, v26;
	v19 =	vshrl.u32 v26, $0x8;
	v21 =	vshrl.u32 v26, $0x10;
	v26 =	vld.idx.msk [tilespmem:v25+s13+$0x0], $0xffff  }
0xc6: {  	v19 =	vand.u32 $0x3F, v19;
	v35 =	vand.u32 $0x1, v21;
	v5 =	vcvt.s32.f32 v10;
	v34 =	vld.idx.msk [tilespmem:v7+s13+$0x0], $0xffff  }
0xc7: {  	v21 =	vcvt.s32.f32 v9;
	v22 =	vand.u32 $0x1, v18;
	v7 =	vshrl.u32 v28, $0x8;
	v10 =	vld.idx.msk [tilespmem:v12+s13+$0x0], $0xffff  }
0xc8: {  	v9 =	vshrl.u32 v27, $0x8;
	v18 =	vand.u32 $0x3F, v7;
	v24 =	vld.idx.msk [tilespmem:v17+s13+$0x0], $0xffff  }
0xc9: {  	v12 =	vand.u32 $0x3F, v9;
	v7 =	vcvt.s32.f32 v30;
	v17 =	vcvt.s32.f32 v13;
	v20 =	vld.idx.msk [tilespmem:v20+s13+$0x0], $0xffff  }
.Ltmp4:
0xca: {  	v23 =	vcvt.s32.f32 v23;
	v9 =	vmul.f32 v32, v31;
	v28 =	vld.idx.msk [tilespmem:v33+s13+$0x0], $0xffff;
	(pc) =	sbr.rel @p1 .LBB2_8-.Ltmp4, $4  }
0xcb: {  	v13 =	vmul.f32 v5, v29;
	v26 =	vmul.f32 v7, v26;
	v25 =	vld [tilespmem:s24+$0xFFFFFFE0]  }
0xcc: {  	v27 =	vmul.f32 v21, v34;
	v15 =	vadd.f32 v9, v15;
	v31 =	vld [tilespmem:s24+$0xFFFFFFC0]  }
0xcd: {  	v9 =	vadd.f32 v13, v11;
	v30 =	vmul.f32 v23, v10;
	v13 =	vadd.f32 v26, v14;
	v29 =	vld [tilespmem:s24+$0xFFFFFFD0]  }
0xce: {  	s26 =	sadd.s32 $0x80, s26;
	v14 =	vadd.f32 v27, v16;
	v10 =	vmul.f32 v32, v15;
	v27 =	vcvt.s32.f32 v35;
	[tilespmem:s28+$0xFFFFFFA0] =	vst v15;
	v26 =	vld [tilespmem:s24+$0xFFFFFFF0]  }
.LBB2_9:
0xcf: {  	v11 =	vmul.f32 v17, v24  }
0xd0: {  	[tilespmem:s23+$0xFFFFFFB0] =	vst v9;
	v15 =	vmul.f32 v27, v28  }
0xd1: {  	v6 =	vor.u32 v1, v6;
	[tilespmem:s23+$0x0] =	vst v13;
	v11 =	vadd.f32 v11, v31  }
0xd2: {  	v2 =	vor.u32 v1, v2;
	[tilespmem:s23+$0xFFFFFF90] =	vst v14;
	v15 =	vadd.f32 v15, v25  }
0xd3: {  	v16 =	vcvt.s32.f32 v22;
	v4 =	vor.u32 v1, v4;
	v58 =	vadd.f32 v30, v29;
	[tilespmem:s23+$0xFFFFFFC0] =	vst v11  }
0xd4: {  	v59 =	vmul.f32 v21, v14;
	[tilespmem:s23+$0xFFFFFFE0] =	vst v15  }
0xd5: {  	v62 =	vor.u32 v1, v12;
	v7 =	vmul.f32 v7, v13;
	v20 =	vmul.f32 v16, v20;
	[tilespmem:s23+$0xFFFFFFD0] =	vst v58  }
0xd6: {  	v8 =	vor.u32 v1, v8;
	[tilespmem:v6+s16+$0x0] =	vst.idx.add.f32.msk $0xffff, v59  }
0xd7: {  	v19 =	vor.u32 v1, v19;
	v20 =	vadd.f32 v20, v26;
	[tilespmem:v2+s16+$0x0] =	vst.idx.add.f32.msk $0xffff, v7  }
0xd8: {  	v3 =	vor.u32 v1, v3;
	v63 =	vmul.f32 v17, v11;
	[tilespmem:v4+s16+$0x0] =	vst.idx.add.f32.msk $0xffff, v10  }
0xd9: {  	v18 =	vor.u32 v1, v18;
	p1 =	slt.u32 s21, s20;
	v23 =	vmul.f32 v23, v58;
	[tilespmem:s23+$0xFFFFFFF0] =	vst v20  }
.Ltmp5:
0xda: {  	v60 =	vmul.f32 v27, v15;
	[tilespmem:v62+s16+$0x0] =	vst.idx.add.f32.msk $0xffff, v63;
	(pc) =	sbr.rel @!p1 .LBB2_10-.Ltmp5, $4  }
0xdb: {  	v2 =	vmul.f32 v5, v9;
	[tilespmem:v8+s16+$0x0] =	vst.idx.add.f32.msk $0xffff, v23  }
0xdc: {  	v61 =	vmul.f32 v16, v20;
	[tilespmem:v19+s16+$0x0] =	vst.idx.add.f32.msk $0xffff, v60  }
0xdd: {  	[tilespmem:v3+s16+$0x0] =	vst.idx.add.f32.msk $0xffff, v2  }
0xde: {  	[tilespmem:v18+s16+$0x0] =	vst.idx.add.f32.msk $0xffff, v61  }
0xdf: {  	s22 =	sshll.u32 s22, $0x4  }
0xe0: {  	s24 =	sand.u32 $0xF80, s22  }
0xe1: {  	s22 =	sadd.s32 $0x12A0, s24;
	s23 =	sadd.s32 $0x620, s24;
	s24 =	sadd.s32 $0x1F20, s24  }
.LBB2_15:
0xe2: {  	v2 =	vld [tilespmem:s22+$0x0];
	_ =	sdelay $0x4  }
0xe3: {  	v3 =	vand.u32 $0x7F, v2;
	_ =	sdelay $0x4  }
0xe4: {  	v3 =	vld.idx.msk [tilespmem:v3+s13+$0x0], $0xffff  }
0xe5: {  	v4 =	vshrl.u32 v2, $0x10  }
0xe6: {  	v5 =	vld [tilespmem:s23+$0x0];
	v4 =	vand.u32 $0x1, v4  }
0xe7: {  	v4 =	vcvt.s32.f32 v4  }
0xe8: {  	v2 =	vshrl.u32 v2, $0x8  }
0xe9: {  	s21 =	sadd.s32 $0x1, s21;
	v2 =	vand.u32 $0x3F, v2;
	v3 =	vmul.f32 v4, v3  }
0xea: {  	p1 =	slt.u32 s21, s20;
	v2 =	vor.u32 v1, v2  }
.Ltmp6:
0xeb: {  	v3 =	vadd.f32 v3, v5;
	(pc) =	sbr.rel @p1 .LBB2_15-.Ltmp6, $4  }
0xec: {  	_ = 	snop  }
0xed: {  	v4 =	vmul.f32 v4, v3  }
0xee: {  	[tilespmem:s24+$0x0] =	vst v3  }
0xef: {  	s22 =	sadd.s32 $0x10, s22;
	s23 =	sadd.s32 $0x10, s23;
	s24 =	sadd.s32 $0x10, s24;
	[tilespmem:v2+s16+$0x0] =	vst.idx.add.f32.msk $0xffff, v4  }
.LBB2_10:
0xf0: {  	s20 =	simm.s32 $0x0;
	p1 =	por $0x1, $0x1  }
.LBB2_11:
0xf1: {  	v2 =	vld [tilespmem:s20+$0x2600]  }
0xf2: {  	v3 =	vld [tilespmem:s20+$0x2610]  }
0xf3: {  	v4 =	vld [tilespmem:s20+$0x2640]  }
0xf4: {  	v5 =	vld [tilespmem:s20+$0x2650]  }
0xf5: {  	v6 =	vld [tilespmem:s20+$0x2680]  }
0xf6: {  	v7 =	vld [tilespmem:s20+$0x2690];
	v2 =	vadd.f32 $0.0e+00, v2  }
0xf7: {  	v8 =	vld [tilespmem:s20+$0x26C0];
	v3 =	vadd.f32 $0.0e+00, v3  }
0xf8: {  	v39 =	vld [tilespmem:s20+$0x26D0];
	v2 =	vadd.f32 v4, v2  }
0xf9: {  	v40 =	vld [tilespmem:s20+$0x2700];
	v3 =	vadd.f32 v5, v3  }
0xfa: {  	v41 =	vld [tilespmem:s20+$0x2710];
	v2 =	vadd.f32 v6, v2  }
0xfb: {  	v42 =	vld [tilespmem:s20+$0x2740];
	v3 =	vadd.f32 v7, v3  }
0xfc: {  	v43 =	vld [tilespmem:s20+$0x2750];
	v2 =	vadd.f32 v8, v2  }
0xfd: {  	v44 =	vld [tilespmem:s20+$0x2780];
	v3 =	vadd.f32 v39, v3  }
0xfe: {  	v45 =	vld [tilespmem:s20+$0x2790];
	v2 =	vadd.f32 v40, v2  }
0xff: {  	v46 =	vld [tilespmem:s20+$0x27C0];
	v3 =	vadd.f32 v41, v3  }
0x100: {  	v47 =	vld [tilespmem:s20+$0x27D0];
	v2 =	vadd.f32 v42, v2  }
0x101: {  	v48 =	vld [tilespmem:s20+$0x2800];
	v3 =	vadd.f32 v43, v3  }
0x102: {  	v49 =	vld [tilespmem:s20+$0x2810];
	v2 =	vadd.f32 v44, v2  }
0x103: {  	v50 =	vld [tilespmem:s20+$0x2840];
	v3 =	vadd.f32 v45, v3  }
0x104: {  	v51 =	vld [tilespmem:s20+$0x2850];
	v2 =	vadd.f32 v46, v2  }
0x105: {  	v52 =	vld [tilespmem:s20+$0x2880];
	v3 =	vadd.f32 v47, v3  }
0x106: {  	v53 =	vld [tilespmem:s20+$0x2890];
	v2 =	vadd.f32 v48, v2  }
0x107: {  	v54 =	vld [tilespmem:s20+$0x28C0];
	v3 =	vadd.f32 v49, v3  }
0x108: {  	v55 =	vld [tilespmem:s20+$0x28D0];
	v2 =	vadd.f32 v50, v2  }
0x109: {  	v56 =	vld [tilespmem:s20+$0x2900];
	v3 =	vadd.f32 v51, v3  }
0x10a: {  	v57 =	vld [tilespmem:s20+$0x2910];
	v2 =	vadd.f32 v52, v2  }
0x10b: {  	v58 =	vld [tilespmem:s20+$0x2940];
	v3 =	vadd.f32 v53, v3  }
0x10c: {  	v59 =	vld [tilespmem:s20+$0x2950];
	v2 =	vadd.f32 v54, v2  }
0x10d: {  	v60 =	vld [tilespmem:s20+$0x2980];
	v3 =	vadd.f32 v55, v3  }
0x10e: {  	v61 =	vld [tilespmem:s20+$0x2990];
	v2 =	vadd.f32 v56, v2  }
0x10f: {  	v62 =	vld [tilespmem:s20+$0x29C0];
	v3 =	vadd.f32 v57, v3  }
0x110: {  	v63 =	vld [tilespmem:s20+$0x29D0];
	v2 =	vadd.f32 v58, v2  }
0x111: {  	v3 =	vadd.f32 v59, v3  }
0x112: {  	p2 =	por p1, p1;
	v2 =	vadd.f32 v60, v2  }
.Ltmp7:
0x113: {  	v3 =	vadd.f32 v61, v3;
	(pc) =	sbr.rel @p2 .LBB2_11-.Ltmp7, $4  }
0x114: {  	v2 =	vadd.f32 v62, v2  }
0x115: {  	v3 =	vadd.f32 v63, v3  }
0x116: {  	[tilespmem:s20+$0x2A00] =	vst v2  }
0x117: {  	p1 =	por $0x0, $0x0;
	[tilespmem:s20+$0x2A10] =	vst v3;
	s20 =	simm.s32 $0x20  }
0x118: {  	[hbm4b:s10+s3] =	stream.linear.scatter [tilespmem:s17], [sflag:$0x3], $0x80, $0x38;
	[tilespmem:$0x2A80] =	vst v63  }
0x119: {  	_ =	swait.ge [sflag:s18], $0x80  }
0x11a: {  	[sflag:s18] =	ssyncset.done $0x0  }
0x11b: {  	s20 =	simm.s32 @p0 $0x0;
	s21 =	simm.s32 @p0 $0x1900;
	[sflag:s18] =	ssyncadd.s32 $0xFFFFFF80  }
0x11c: {  	[hbm4b:s11+s20] =	stream.linear.scatter @p0 [tilespmem:s21], [sflag:$0x3], $0xAE0, $0x38;
	[tilespmem:$0x2A80] =	vst v63  }
0x11d: {  	s20 =	simm.s32 @p0 $0x3  }
0x11e: {  	s19 =	sadd.s32 $0x1, s19;
	_ =	swait.ge @p0 [sflag:s20], $0xAE0  }
0x11f: {  	p1 =	sne.s32 s19, s12;
	[sflag:s20] =	ssyncset.done @p0 $0x0  }
0x120: {  	s21 =	simm.s32 @!p0 $0x1900;
	[sflag:s20] =	ssyncadd.s32 @p0 $0xFFFFF520;
	s20 =	simm.s32 @!p0 $0x0  }
0x121: {  	[hbm4b:s11+s20] =	stream.linear.scatter @!p0 [tilespmem:s21], [sflag:$0x3], $0xC40, $0x38;
	[tilespmem:$0x2A80] =	vst v63  }
.Ltmp8:
0x122: {  	_ = 	snop;
	(pc) =	sbr.rel @p1 .LBB2_1-.Ltmp8, $4  }
0x123: {  	s20 =	simm.s32 @!p0 $0x3  }
0x124: {  	_ =	swait.ge @!p0 [sflag:s20], $0xC40  }
0x125: {  	[sflag:s20] =	ssyncset.done @!p0 $0x0  }
0x126: {  	[sflag:s20] =	ssyncadd.s32 @!p0 $0xFFFFF3C0  }
0x127: {  	_ =	sfence.sel $0x180000  }
0x128: {  	[bflag:$0x0] =	sbarrier.arrive $0xFFFF  }
0x129: {  	p0 =	sne.s32 s0, $0x0;
	_ =	strace $0x90000047  }
0x12a: {  	s0 =	sadd.s32 @!p0 $0x100000, s2;
	[bflag:$0x2] =	sbarrier.arrive $0xFFFF  }
0x12b: {  	[sflag:s0] =	ssyncadd.tile.s32 @!p0 $0x1;
	_ =	shalt  }
.Lfunc_end2:
_tile_overlayer_lowered:
.L_overlay_start_2:
0x12c: {  	(tag) =	ssettag $0x2  }
0x12d: {  	s0 =	rddreg [dreg:$0x0];
	s2 =	stileid.u32  }
0x12e: {  	s1 =	rddreg [dreg:$0x1];
	p0 =	sne.s32 s2, $0x0  }
0x12f: {  	s3 =	rddreg [dreg:$0x2];
	[bflag:$0x3] =	sbarrier.arrive $0xFFFF;
	s2 =	simm.s32 @!p0 $0x1C03  }
0x130: {  	[timem:s3], [sflag:s2] =	dma.local @!p0 [hbm:s0], s1  }
0x131: {  	s0 =	simm.s32 @!p0 $0x3  }
0x132: {  	_ =	swait.ge @!p0 [sflag:s0], s1  }
0x133: {  	s1 =	ssub.s32 @!p0 $0x0, s1;
	[sflag:s0] =	ssyncset.done @!p0 $0x0  }
0x134: {  	[sflag:s0] =	ssyncadd.s32 @!p0 s1  }
0x135: {  	[bflag:$0x3] =	sbarrier.arrive $0xFFFF  }
0x136: {  	_ =	shalt  }

</sc_bundles>
